<compile_context>
chip_gen: v7x
topology: tpu7x:2x2x1
jax: 0.10.2.dev20260603
libtpu: 0.0.44.dev20260713+nightly
codegen_flags: <defaults>
</compile_context>

<pallas_src>
import functools

import jax
import jax.numpy as jnp
from jax import lax
from jax.experimental import pallas as pl
from jax.experimental.pallas import tpu as pltpu

N_OBJ = 1000
N_OBJ_P = 1024
N_CLS = 151
N_CLS_P = 160
NMS_THRESH = 0.3

N_REL = 20000
N_REL_P = 20480
N_RELCLS = 51
REL_BLK = 256
RANK_QBLK = 1024
RANK_ROWS = N_REL_P // 128


def _nms_kernel(pt_ref, bx1_ref, by1_ref, bx2_ref, by2_ref,
                pred_ref, boxes_ref, prob_ref):
    cls_iota = lax.broadcasted_iota(jnp.int32, (N_CLS_P, N_OBJ_P), 0)
    lane_iota = lax.broadcasted_iota(jnp.int32, (N_CLS_P, N_OBJ_P), 1)
    lane1 = lax.broadcasted_iota(jnp.int32, (1, N_OBJ_P), 1)

    lt = jnp.concatenate(
        [pt_ref[:].T, jnp.full((N_CLS_P - N_CLS, N_OBJ_P), -1e30)], axis=0)
    m = jnp.max(lt, axis=0, keepdims=True)
    e = jnp.exp(lt - m)
    p = e / jnp.sum(e, axis=0, keepdims=True)
    p = jnp.where(cls_iota == 0, 0.0, p)
    p = jnp.where(cls_iota >= N_CLS, -2.0, p)
    prob_ref[:] = jnp.where(lane_iota >= N_OBJ, -2.0, p)

    cls_col = lax.broadcasted_iota(jnp.int32, (N_CLS_P, 1), 0)

    def body(it, state):
        pred, box_max = state
        pt = prob_ref[:]
        gmax = jnp.max(box_max)
        box_ind = jnp.min(jnp.where(box_max == gmax, lane1, 2**30))
        is_box = lane1 == box_ind
        colv = jnp.max(jnp.where(is_box, pt, -3.0), axis=1,
                       keepdims=True)
        cmax = jnp.max(colv)
        cls_ind = jnp.min(jnp.where(colv == cmax, cls_col, 2**30))
        cur = jnp.max(jnp.where(is_box, pred, 0))
        new_lab = jnp.where(cur > 0, cur, cls_ind)
        pred = jnp.where(is_box, new_lab, pred)

        x1r = bx1_ref[pl.ds(cls_ind, 1), :]
        y1r = by1_ref[pl.ds(cls_ind, 1), :]
        x2r = bx2_ref[pl.ds(cls_ind, 1), :]
        y2r = by2_ref[pl.ds(cls_ind, 1), :]
        rx1 = jnp.max(jnp.where(is_box, x1r, -1e30))
        ry1 = jnp.max(jnp.where(is_box, y1r, -1e30))
        rx2 = jnp.max(jnp.where(is_box, x2r, -1e30))
        ry2 = jnp.max(jnp.where(is_box, y2r, -1e30))
        iw = jnp.maximum(jnp.minimum(rx2, x2r) - jnp.maximum(rx1, x1r), 0.0)
        ih = jnp.maximum(jnp.minimum(ry2, y2r) - jnp.maximum(ry1, y1r), 0.0)
        inter = iw * ih
        area_r = (rx2 - rx1) * (ry2 - ry1)
        area_b = (x2r - x1r) * (y2r - y1r)
        iou = inter / jnp.maximum(area_r + area_b - inter, 1e-12)
        overlap = iou >= NMS_THRESH

        npt = jnp.where((cls_iota == cls_ind) & overlap, 0.0, pt)
        npt = jnp.where(lane_iota == box_ind, -1.0, npt)
        prob_ref[:] = npt
        return pred, jnp.max(npt, axis=0, keepdims=True)

    box_max0 = jnp.max(prob_ref[:], axis=0, keepdims=True)
    pred, _ = lax.fori_loop(0, N_OBJ, body,
                            (jnp.zeros((1, N_OBJ_P), jnp.int32), box_max0))

    sel = cls_iota == pred
    pred_ref[:] = jnp.broadcast_to(pred, (8, N_OBJ_P))
    bx1 = jnp.sum(jnp.where(sel, bx1_ref[:], 0.0), axis=0, keepdims=True)
    by1 = jnp.sum(jnp.where(sel, by1_ref[:], 0.0), axis=0, keepdims=True)
    bx2 = jnp.sum(jnp.where(sel, bx2_ref[:], 0.0), axis=0, keepdims=True)
    by2 = jnp.sum(jnp.where(sel, by2_ref[:], 0.0), axis=0, keepdims=True)
    boxes_ref[:] = jnp.concatenate(
        [bx1, by1, bx2, by2, bx1, by1, bx2, by2], axis=0)


def _run_nms(refine_logits, boxes_per_cls, interpret=False):
    pt = jnp.pad(refine_logits, ((0, N_OBJ_P - N_OBJ), (0, 0)))
    bt = boxes_per_cls.transpose(1, 2, 0)
    bs = [jnp.pad(bt[:, j, :], ((0, N_CLS_P - N_CLS), (0, N_OBJ_P - N_OBJ)))
          for j in range(4)]
    out_shapes = [
        jax.ShapeDtypeStruct((8, N_OBJ_P), jnp.int32),
        jax.ShapeDtypeStruct((8, N_OBJ_P), jnp.float32),
    ]
    pred, boxes = pl.pallas_call(
        _nms_kernel,
        out_shape=out_shapes,
        scratch_shapes=[pltpu.VMEM((N_CLS_P, N_OBJ_P), jnp.float32)],
        interpret=interpret,
    )(pt, *bs)
    obj_class = pred[0, :N_OBJ]
    pred_boxes = boxes[:4, :N_OBJ].T
    return obj_class, pred[0:1, :].reshape(N_OBJ_P, 1), pred_boxes


def _rel_kernel(rel_ref, pair_ref, score_ref,
                prob_ref, triple_ref):
    pid = pl.program_id(0)
    p = rel_ref[:]
    col = lax.broadcasted_iota(jnp.int32, (REL_BLK, N_RELCLS), 1)

    fg = col >= 1
    rm = jnp.max(jnp.where(fg, p, -1.0), axis=1, keepdims=True)
    rcls = jnp.min(jnp.where(fg & (p == rm), col, 2**30),
                   axis=1, keepdims=True)

    lane1 = lax.broadcasted_iota(jnp.int32, (1, N_OBJ_P), 1)
    scores = score_ref[0:1, :]
    idx0 = pair_ref[:, 0:1]
    idx1 = pair_ref[:, 1:2]
    s0 = jnp.sum(jnp.where(idx0 == lane1, scores, 0.0),
                 axis=1, keepdims=True)
    s1 = jnp.sum(jnp.where(idx1 == lane1, scores, 0.0),
                 axis=1, keepdims=True)
    triple = (rm * s0) * s1

    row = (pid * REL_BLK
           + lax.broadcasted_iota(jnp.int32, (REL_BLK, 1), 0))
    triple = jnp.where(row >= N_REL, -1.0, triple)
    triple_ref[:] = triple

    prob_ref[:, :N_RELCLS] = p
    meta = jnp.concatenate([idx0, idx1, rcls], axis=1)
    prob_ref[:, N_RELCLS:N_RELCLS + 3] = lax.bitcast_convert_type(
        meta, jnp.float32)
    prob_ref[:, N_RELCLS + 3:] = jnp.zeros(
        (REL_BLK, 128 - N_RELCLS - 3), jnp.float32)


def _run_rel(p_rel, rel_pair_idx, score_pad, interpret=False):
    rl = jnp.pad(p_rel, ((0, N_REL_P - N_REL), (0, 0)))
    pi = jnp.pad(rel_pair_idx, ((0, N_REL_P - N_REL), (0, 0)))
    grid = N_REL_P // REL_BLK
    prob, triple = pl.pallas_call(
        _rel_kernel,
        grid=(grid,),
        in_specs=[
            pl.BlockSpec((REL_BLK, N_RELCLS), lambda i: (i, 0)),
            pl.BlockSpec((REL_BLK, 2), lambda i: (i, 0)),
            pl.BlockSpec((8, N_OBJ_P), lambda i: (0, 0)),
        ],
        out_specs=[
            pl.BlockSpec((REL_BLK, 128), lambda i: (i, 0)),
            pl.BlockSpec((REL_BLK, 1), lambda i: (i, 0)),
        ],
        out_shape=[
            jax.ShapeDtypeStruct((N_REL_P, 128), jnp.float32),
            jax.ShapeDtypeStruct((N_REL_P, 1), jnp.float32),
        ],
        interpret=interpret,
    )(rl, pi, score_pad)
    return prob, triple


def _rank_kernel(q_ref, s_ref, rank_ref):
    pid = pl.program_id(0)
    q = q_ref[:]
    qt = q.T
    qcol = jnp.concatenate([qt[:, a:a + 1] for a in range(8)], axis=0)
    qb = jnp.broadcast_to(qcol, (RANK_QBLK, 128))
    icol = (pid * RANK_QBLK
            + lax.broadcasted_iota(jnp.int32, (RANK_QBLK, 1), 0))
    jlane = lax.broadcasted_iota(jnp.int32, (1, 128), 1)
    qlo = pid * (RANK_QBLK // 128)
    qhi = qlo + RANK_QBLK // 128
    zero2d = jnp.zeros((RANK_QBLK, 128), jnp.int32)

    def body_lo(r, acc):
        srow = s_ref[pl.ds(r, 1), :]
        return acc + (srow >= qb).astype(jnp.int32)

    def body_diag(r, acc):
        srow = s_ref[pl.ds(r, 1), :]
        jrow = r * 128 + jlane
        gt = (srow > qb).astype(jnp.int32)
        eqb = (srow == qb) & (jrow < icol)
        return acc + gt + eqb.astype(jnp.int32)

    def body_hi(r, acc):
        srow = s_ref[pl.ds(r, 1), :]
        return acc + (srow > qb).astype(jnp.int32)

    acc = lax.fori_loop(0, qlo, body_lo, zero2d)
    acc = lax.fori_loop(qlo, qhi, body_diag, acc)
    acc = lax.fori_loop(qhi, RANK_ROWS, body_hi, acc)
    acc = jnp.sum(acc, axis=1, keepdims=True)
    accs = [acc[a * 128:(a + 1) * 128, :] for a in range(8)]
    rank_ref[:] = jnp.concatenate(accs, axis=1).T


def _run_rank(triple, interpret=False):
    s2 = triple.reshape(RANK_ROWS, 128)
    grid = N_REL_P // RANK_QBLK
    rank = pl.pallas_call(
        _rank_kernel,
        grid=(grid,),
        in_specs=[
            pl.BlockSpec((8, 128), lambda i: (i, 0)),
            pl.BlockSpec((RANK_ROWS, 128), lambda i: (0, 0)),
        ],
        out_specs=pl.BlockSpec((8, 128), lambda i: (i, 0)),
        out_shape=jax.ShapeDtypeStruct((RANK_ROWS, 128), jnp.int32),
        interpret=interpret,
    )(s2, s2)
    return rank.reshape(N_REL_P)


def _make_sc_permute():
    from jax.experimental.pallas import tpu_sc as plsc

    info = plsc.get_sparse_core_info()
    nw = info.num_cores * info.num_subcores
    rows_per_w = N_REL_P // nw
    chunks = rows_per_w // 128
    mesh = plsc.VectorSubcoreMesh(core_axis_name="c", subcore_axis_name="s")

    @functools.partial(
        pl.kernel, mesh=mesh,
        out_type=jax.ShapeDtypeStruct((N_REL_P, 128), jnp.float32),
        scratch_types=[pltpu.VMEM((chunks, 128), jnp.int32),
                       pltpu.VMEM((128, 128), jnp.float32),
                       pltpu.SemaphoreType.DMA],
    )
    def sc_permute(rank_hbm, prob_hbm, prob_out, idx_v, prob_v, sem1):
        wid = lax.axis_index("s") * info.num_cores + lax.axis_index("c")
        base = wid * rows_per_w
        pltpu.sync_copy(rank_hbm.at[wid], idx_v)
        for j in range(chunks):
            pltpu.sync_copy(prob_hbm.at[pl.ds(base + j * 128, 128)], prob_v)
            pltpu.async_copy(prob_v, prob_out.at[idx_v.at[j]], sem1).wait()

    return sc_permute


def kernel(relation_logits, refine_logits, rel_pair_idx, boxes_per_cls):
    p_obj0 = jax.nn.softmax(refine_logits, axis=-1).at[:, 0].set(0.0)
    p_rel = jax.nn.softmax(relation_logits, axis=-1)

    obj_class, pred_col, pred_boxes = _run_nms(refine_logits, boxes_per_cls)
    ind = jnp.arange(N_OBJ, dtype=jnp.int32) * N_CLS + obj_class
    obj_scores = p_obj0.reshape(-1)[ind]

    score_pad = jnp.zeros((8, N_OBJ_P), jnp.float32)
    score_pad = score_pad.at[0, :N_OBJ].set(obj_scores)
    prob, triple = _run_rel(p_rel, rel_pair_idx, score_pad)
    rank = _run_rank(triple.reshape(N_REL_P))

    sc_permute = _make_sc_permute()
    prob_s = sc_permute(rank.reshape(32, N_REL_P // (32 * 128), 128), prob)

    meta_s = lax.bitcast_convert_type(
        prob_s[:N_REL, N_RELCLS:N_RELCLS + 3], jnp.int32)
    rel_pair_idx_sorted = meta_s[:, :2]
    rel_class_prob_sorted = prob_s[:N_REL, :N_RELCLS]
    rel_labels_sorted = meta_s[:, 2]
    return (pred_boxes, obj_class, obj_scores, rel_pair_idx_sorted,
            rel_class_prob_sorted, rel_labels_sorted)

# --- scband reference (transcript-rebuilt; emitter-appended) ---
"""Pipeline reference for scband-post-processor-43095701848195 (READ-ONLY COPY).

The authoritative reference and input builder live on the scoring server;
editing this copy changes nothing except your own understanding.
"""

import jax, jax.numpy as jnp
import numpy as np

NUM_OBJ = 1000
NUM_OBJ_CLS = 151
NUM_REL = 20000
NUM_REL_CLS = 51
LATER_NMS_PRED_THRES = 0.3


def _iou_one_vs_all(ref_box, boxes):
    x1 = jnp.maximum(ref_box[0], boxes[:, 0])
    y1 = jnp.maximum(ref_box[1], boxes[:, 1])
    x2 = jnp.minimum(ref_box[2], boxes[:, 2])
    y2 = jnp.minimum(ref_box[3], boxes[:, 3])
    inter = jnp.clip(x2 - x1, 0.0, None) * jnp.clip(y2 - y1, 0.0, None)
    area_r = (ref_box[2] - ref_box[0]) * (ref_box[3] - ref_box[1])
    area_b = (boxes[:, 2] - boxes[:, 0]) * (boxes[:, 3] - boxes[:, 1])
    return inter / jnp.maximum(area_r + area_b - inter, 1e-12)


def obj_prediction_nms(boxes_per_cls, pred_logits, nms_thresh):
    # greedy per-class NMS on refined object logits (faithful to SGG obj_prediction_nms)
    num_obj, num_cls = pred_logits.shape
    prob = jax.nn.softmax(pred_logits, axis=-1)
    prob = prob.at[:, 0].set(0.0)

    def body(i, state):
        prob, pred_label = state
        flat = jnp.argmax(prob)
        box_ind = flat // num_cls
        cls_ind = flat % num_cls
        cur = pred_label[box_ind]
        new_lab = jnp.where(cur > 0, cur, cls_ind).astype(pred_label.dtype)
        pred_label = pred_label.at[box_ind].set(new_lab)
        ref_box = boxes_per_cls[box_ind, cls_ind]
        cls_boxes = boxes_per_cls[:, cls_ind, :]
        overlap = _iou_one_vs_all(ref_box, cls_boxes) >= nms_thresh
        prob = prob.at[:, cls_ind].set(jnp.where(overlap, 0.0, prob[:, cls_ind]))
        prob = prob.at[box_ind, :].set(-1.0)
        return prob, pred_label

    pred_label = jnp.zeros((num_obj,), dtype=jnp.int32)
    prob, pred_label = jax.lax.fori_loop(0, num_obj, body, (prob, pred_label))
    return pred_label


def setup_inputs(seed: int = 0) -> dict:
    key = jax.random.key(seed)
    k1, k2, k3, k4, k5 = jax.random.split(key, 5)
    relation_logits = jax.random.normal(k1, (NUM_REL, NUM_REL_CLS), dtype=jnp.float32)
    refine_logits = jax.random.normal(k2, (NUM_OBJ, NUM_OBJ_CLS), dtype=jnp.float32)
    rel_pair_idx = jax.random.randint(k3, (NUM_REL, 2), 0, NUM_OBJ).astype(jnp.int32)
    xy = jax.random.uniform(k4, (NUM_OBJ, NUM_OBJ_CLS, 2), minval=0.0, maxval=480.0)
    wh = jax.random.uniform(k5, (NUM_OBJ, NUM_OBJ_CLS, 2), minval=16.0, maxval=128.0)
    boxes_per_cls = jnp.concatenate([xy, xy + wh], axis=-1).astype(jnp.float32)
    return {"relation_logits": relation_logits, "refine_logits": refine_logits,
            "rel_pair_idx": rel_pair_idx, "boxes_per_cls": boxes_per_cls}


def reference(relation_logits, refine_logits, rel_pair_idx, boxes_per_cls):
    num_obj_bbox, num_obj_class = refine_logits.shape
    obj_class_prob = jax.nn.softmax(refine_logits, axis=-1)
    obj_class_prob = obj_class_prob.at[:, 0].set(0.0)
    # re-NMS on refined object logits (use_gt_box=False path)
    obj_pred = obj_prediction_nms(boxes_per_cls, refine_logits, LATER_NMS_PRED_THRES)
    obj_score_ind = jnp.arange(num_obj_bbox, dtype=jnp.int32) * num_obj_class + obj_pred
    obj_scores = obj_class_prob.reshape(-1)[obj_score_ind]
    obj_class = obj_pred
    pred_boxes = boxes_per_cls[jnp.arange(num_obj_bbox), obj_class]
    # relation ranking by triple scores
    obj_scores0 = obj_scores[rel_pair_idx[:, 0]]
    obj_scores1 = obj_scores[rel_pair_idx[:, 1]]
    rel_class_prob = jax.nn.softmax(relation_logits, axis=-1)
    rel_scores = jnp.max(rel_class_prob[:, 1:], axis=1)
    rel_class = jnp.argmax(rel_class_prob[:, 1:], axis=1) + 1
    triple_scores = rel_scores * obj_scores0 * obj_scores1
    sorting_idx = jnp.argsort(-triple_scores)
    rel_pair_idx_sorted = rel_pair_idx[sorting_idx]
    rel_class_prob_sorted = rel_class_prob[sorting_idx]
    rel_labels_sorted = rel_class[sorting_idx]
    return (pred_boxes, obj_class, obj_scores, rel_pair_idx_sorted,
            rel_class_prob_sorted, rel_labels_sorted)

if __name__ == "__main__":
    import jax
    _d = setup_inputs()
    print(jax.jit(kernel)(*tuple(_d.values())))

</pallas_src>

<mosaic_0001>
#map = affine_map<(d0, d1) -> (0, 0, 0)>
#map1 = affine_map<(d0, d1) -> (0, 0)>
module attributes {stable_mosaic.version = 14 : i64} {
  func.func @sc_permute(%arg0: i32, %arg1: i32, %arg2: memref<32x5x128xi32, #tpu.memory_space<hbm>>, %arg3: memref<20480x128xf32, #tpu.memory_space<hbm>>, %arg4: memref<20480x128xf32, #tpu.memory_space<hbm>>, %arg5: memref<5x128xi32, #tpu.memory_space<vmem>>, %arg6: memref<128x128xf32, #tpu.memory_space<vmem>>, %arg7: memref<!tpu.dma_semaphore, #tpu.memory_space<semaphore_mem>>) attributes {dimension_semantics = [#tpu.dimension_semantics<core_parallel>, #tpu.dimension_semantics<subcore_parallel>], iteration_bounds = array<i64: 2, 16>, scalar_prefetch = 0 : i64, scratch_operands = 3 : i64, tpu.core_type = #tpu.core_type<sc_vector_subcore>, window_params = [{transform_indices = #map}, {transform_indices = #map1}, {transform_indices = #map1}]} {
    %mul3A = arith.constant 2 : i32
    %mul3A_0 = arith.muli %arg1, %mul3A : i32
    %add3A = arith.addi %mul3A_0, %arg0 : i32
    %mul3A_1 = arith.constant 640 : i32
    %mul3A_2 = arith.muli %add3A, %mul3A_1 : i32
    "tpu.region"() ({
      %run_scoped3A = tpu.sem_alloc : memref<!tpu.dma_semaphore, #tpu.memory_space<semaphore_mem>>
      %dma_start3A_81 = arith.constant 0 : i32
      %dma_start3A_82 = arith.constant 0 : i32
      %dma_start3A_83 = tpu.memref_slice %arg2[%add3A, %dma_start3A_81, %dma_start3A_82] : memref<32x5x128xi32, #tpu.memory_space<hbm>> -> memref<1x5x128xi32, #tpu.memory_space<hbm>>
      %dma_start3A_84 = tpu.memref_squeeze %dma_start3A_83 : memref<1x5x128xi32, #tpu.memory_space<hbm>> -> memref<5x128xi32, #tpu.memory_space<hbm>>
      %dma_start3A_85 = arith.constant 0 : i32
      %dma_start3A_86 = arith.constant 0 : i32
      %dma_start3A_87 = tpu.memref_slice %arg2[%add3A, %dma_start3A_85, %dma_start3A_86] : memref<32x5x128xi32, #tpu.memory_space<hbm>> -> memref<1x5x128xi32, #tpu.memory_space<hbm>>
      %dma_start3A_88 = tpu.memref_squeeze %dma_start3A_87 : memref<1x5x128xi32, #tpu.memory_space<hbm>> -> memref<5x128xi32, #tpu.memory_space<hbm>>
      tpu.enqueue_dma source(%dma_start3A_88 : memref<5x128xi32, #tpu.memory_space<hbm>>) target(%arg5 : memref<5x128xi32, #tpu.memory_space<vmem>>) target_semaphore(%run_scoped3A : memref<!tpu.dma_semaphore, #tpu.memory_space<semaphore_mem>>)
      %dma_wait3A_89 = arith.constant 0 : i32
      %dma_wait3A_90 = arith.constant 0 : i32
      %dma_wait3A_91 = tpu.memref_slice %arg2[%add3A, %dma_wait3A_89, %dma_wait3A_90] : memref<32x5x128xi32, #tpu.memory_space<hbm>> -> memref<1x5x128xi32, #tpu.memory_space<hbm>>
      %dma_wait3A_92 = tpu.memref_squeeze %dma_wait3A_91 : memref<1x5x128xi32, #tpu.memory_space<hbm>> -> memref<5x128xi32, #tpu.memory_space<hbm>>
      %dma_wait3A_93 = arith.constant 0 : i32
      %dma_wait3A_94 = arith.constant 0 : i32
      %dma_wait3A_95 = tpu.memref_slice %arg2[%add3A, %dma_wait3A_93, %dma_wait3A_94] : memref<32x5x128xi32, #tpu.memory_space<hbm>> -> memref<1x5x128xi32, #tpu.memory_space<hbm>>
      %dma_wait3A_96 = tpu.memref_squeeze %dma_wait3A_95 : memref<1x5x128xi32, #tpu.memory_space<hbm>> -> memref<5x128xi32, #tpu.memory_space<hbm>>
      tpu.wait_dma2 semaphore(%run_scoped3A : memref<!tpu.dma_semaphore, #tpu.memory_space<semaphore_mem>>) src(%dma_wait3A_96 : memref<5x128xi32, #tpu.memory_space<hbm>>) dst(%arg5 : memref<5x128xi32, #tpu.memory_space<vmem>>)
      tpu.yield
    }) : () -> ()
    %add3A_3 = arith.constant 0 : i32
    %add3A_4 = arith.addi %mul3A_2, %add3A_3 : i32
    "tpu.region"() ({
      %run_scoped3A = tpu.sem_alloc : memref<!tpu.dma_semaphore, #tpu.memory_space<semaphore_mem>>
      %dma_start3A_81 = arith.constant 0 : i32
      %dma_start3A_82 = tpu.memref_slice %arg3[%add3A_4, %dma_start3A_81] : memref<20480x128xf32, #tpu.memory_space<hbm>> -> memref<128x128xf32, #tpu.memory_space<hbm>>
      %dma_start3A_83 = arith.constant 0 : i32
      %dma_start3A_84 = tpu.memref_slice %arg3[%add3A_4, %dma_start3A_83] : memref<20480x128xf32, #tpu.memory_space<hbm>> -> memref<128x128xf32, #tpu.memory_space<hbm>>
      tpu.enqueue_dma source(%dma_start3A_84 : memref<128x128xf32, #tpu.memory_space<hbm>>) target(%arg6 : memref<128x128xf32, #tpu.memory_space<vmem>>) target_semaphore(%run_scoped3A : memref<!tpu.dma_semaphore, #tpu.memory_space<semaphore_mem>>)
      %dma_wait3A_85 = arith.constant 0 : i32
      %dma_wait3A_86 = tpu.memref_slice %arg3[%add3A_4, %dma_wait3A_85] : memref<20480x128xf32, #tpu.memory_space<hbm>> -> memref<128x128xf32, #tpu.memory_space<hbm>>
      %dma_wait3A_87 = arith.constant 0 : i32
      %dma_wait3A_88 = tpu.memref_slice %arg3[%add3A_4, %dma_wait3A_87] : memref<20480x128xf32, #tpu.memory_space<hbm>> -> memref<128x128xf32, #tpu.memory_space<hbm>>
      tpu.wait_dma2 semaphore(%run_scoped3A : memref<!tpu.dma_semaphore, #tpu.memory_space<semaphore_mem>>) src(%dma_wait3A_88 : memref<128x128xf32, #tpu.memory_space<hbm>>) dst(%arg6 : memref<128x128xf32, #tpu.memory_space<vmem>>)
      tpu.yield
    }) : () -> ()
    %dma_start3A = arith.constant 0 : i32
    %dma_start3A_5 = arith.constant 0 : i32
    %dma_start3A_6 = tpu.memref_slice %arg5[%dma_start3A, %dma_start3A_5] : memref<5x128xi32, #tpu.memory_space<vmem>> -> memref<1x128xi32, #tpu.memory_space<vmem>>
    %dma_start3A_7 = tpu.memref_squeeze %dma_start3A_6 : memref<1x128xi32, #tpu.memory_space<vmem>> -> memref<128xi32, #tpu.memory_space<vmem>>
    %dma_start3A_8 = arith.constant 0 : i32
    %dma_start3A_9 = arith.constant 0 : i32
    %dma_start3A_10 = tpu.memref_slice %arg4[%dma_start3A_8, %dma_start3A_9] : memref<20480x128xf32, #tpu.memory_space<hbm>> -> memref<20480x128xf32, #tpu.memory_space<hbm>>
    tpu.enqueue_indirect_dma source(%arg6 : memref<128x128xf32, #tpu.memory_space<vmem>>) target(%dma_start3A_10 : memref<20480x128xf32, #tpu.memory_space<hbm>>) offsets(%dma_start3A_7 : memref<128xi32, #tpu.memory_space<vmem>>) semaphore(%arg7 : memref<!tpu.dma_semaphore, #tpu.memory_space<semaphore_mem>>)
    %dma_wait3A = arith.constant 0 : i32
    %dma_wait3A_11 = arith.constant 0 : i32
    %dma_wait3A_12 = tpu.memref_slice %arg5[%dma_wait3A, %dma_wait3A_11] : memref<5x128xi32, #tpu.memory_space<vmem>> -> memref<1x128xi32, #tpu.memory_space<vmem>>
    %dma_wait3A_13 = tpu.memref_squeeze %dma_wait3A_12 : memref<1x128xi32, #tpu.memory_space<vmem>> -> memref<128xi32, #tpu.memory_space<vmem>>
    %dma_wait3A_14 = arith.constant 0 : i32
    %dma_wait3A_15 = arith.constant 0 : i32
    %dma_wait3A_16 = tpu.memref_slice %arg4[%dma_wait3A_14, %dma_wait3A_15] : memref<20480x128xf32, #tpu.memory_space<hbm>> -> memref<20480x128xf32, #tpu.memory_space<hbm>>
    tpu.wait_indirect_dma semaphore(%arg7 : memref<!tpu.dma_semaphore, #tpu.memory_space<semaphore_mem>>) src(%arg6 : memref<128x128xf32, #tpu.memory_space<vmem>>) dst(%dma_wait3A_16 : memref<20480x128xf32, #tpu.memory_space<hbm>>)
    %add3A_17 = arith.constant 128 : i32
    %add3A_18 = arith.addi %mul3A_2, %add3A_17 : i32
    "tpu.region"() ({
      %run_scoped3A = tpu.sem_alloc : memref<!tpu.dma_semaphore, #tpu.memory_space<semaphore_mem>>
      %dma_start3A_81 = arith.constant 0 : i32
      %dma_start3A_82 = tpu.memref_slice %arg3[%add3A_18, %dma_start3A_81] : memref<20480x128xf32, #tpu.memory_space<hbm>> -> memref<128x128xf32, #tpu.memory_space<hbm>>
      %dma_start3A_83 = arith.constant 0 : i32
      %dma_start3A_84 = tpu.memref_slice %arg3[%add3A_18, %dma_start3A_83] : memref<20480x128xf32, #tpu.memory_space<hbm>> -> memref<128x128xf32, #tpu.memory_space<hbm>>
      tpu.enqueue_dma source(%dma_start3A_84 : memref<128x128xf32, #tpu.memory_space<hbm>>) target(%arg6 : memref<128x128xf32, #tpu.memory_space<vmem>>) target_semaphore(%run_scoped3A : memref<!tpu.dma_semaphore, #tpu.memory_space<semaphore_mem>>)
      %dma_wait3A_85 = arith.constant 0 : i32
      %dma_wait3A_86 = tpu.memref_slice %arg3[%add3A_18, %dma_wait3A_85] : memref<20480x128xf32, #tpu.memory_space<hbm>> -> memref<128x128xf32, #tpu.memory_space<hbm>>
      %dma_wait3A_87 = arith.constant 0 : i32
      %dma_wait3A_88 = tpu.memref_slice %arg3[%add3A_18, %dma_wait3A_87] : memref<20480x128xf32, #tpu.memory_space<hbm>> -> memref<128x128xf32, #tpu.memory_space<hbm>>
      tpu.wait_dma2 semaphore(%run_scoped3A : memref<!tpu.dma_semaphore, #tpu.memory_space<semaphore_mem>>) src(%dma_wait3A_88 : memref<128x128xf32, #tpu.memory_space<hbm>>) dst(%arg6 : memref<128x128xf32, #tpu.memory_space<vmem>>)
      tpu.yield
    }) : () -> ()
    %dma_start3A_19 = arith.constant 1 : i32
    %dma_start3A_20 = arith.constant 0 : i32
    %dma_start3A_21 = tpu.memref_slice %arg5[%dma_start3A_19, %dma_start3A_20] : memref<5x128xi32, #tpu.memory_space<vmem>> -> memref<1x128xi32, #tpu.memory_space<vmem>>
    %dma_start3A_22 = tpu.memref_squeeze %dma_start3A_21 : memref<1x128xi32, #tpu.memory_space<vmem>> -> memref<128xi32, #tpu.memory_space<vmem>>
    %dma_start3A_23 = arith.constant 0 : i32
    %dma_start3A_24 = arith.constant 0 : i32
    %dma_start3A_25 = tpu.memref_slice %arg4[%dma_start3A_23, %dma_start3A_24] : memref<20480x128xf32, #tpu.memory_space<hbm>> -> memref<20480x128xf32, #tpu.memory_space<hbm>>
    tpu.enqueue_indirect_dma source(%arg6 : memref<128x128xf32, #tpu.memory_space<vmem>>) target(%dma_start3A_25 : memref<20480x128xf32, #tpu.memory_space<hbm>>) offsets(%dma_start3A_22 : memref<128xi32, #tpu.memory_space<vmem>>) semaphore(%arg7 : memref<!tpu.dma_semaphore, #tpu.memory_space<semaphore_mem>>)
    %dma_wait3A_26 = arith.constant 1 : i32
    %dma_wait3A_27 = arith.constant 0 : i32
    %dma_wait3A_28 = tpu.memref_slice %arg5[%dma_wait3A_26, %dma_wait3A_27] : memref<5x128xi32, #tpu.memory_space<vmem>> -> memref<1x128xi32, #tpu.memory_space<vmem>>
    %dma_wait3A_29 = tpu.memref_squeeze %dma_wait3A_28 : memref<1x128xi32, #tpu.memory_space<vmem>> -> memref<128xi32, #tpu.memory_space<vmem>>
    %dma_wait3A_30 = arith.constant 0 : i32
    %dma_wait3A_31 = arith.constant 0 : i32
    %dma_wait3A_32 = tpu.memref_slice %arg4[%dma_wait3A_30, %dma_wait3A_31] : memref<20480x128xf32, #tpu.memory_space<hbm>> -> memref<20480x128xf32, #tpu.memory_space<hbm>>
    tpu.wait_indirect_dma semaphore(%arg7 : memref<!tpu.dma_semaphore, #tpu.memory_space<semaphore_mem>>) src(%arg6 : memref<128x128xf32, #tpu.memory_space<vmem>>) dst(%dma_wait3A_32 : memref<20480x128xf32, #tpu.memory_space<hbm>>)
    %add3A_33 = arith.constant 256 : i32
    %add3A_34 = arith.addi %mul3A_2, %add3A_33 : i32
    "tpu.region"() ({
      %run_scoped3A = tpu.sem_alloc : memref<!tpu.dma_semaphore, #tpu.memory_space<semaphore_mem>>
      %dma_start3A_81 = arith.constant 0 : i32
      %dma_start3A_82 = tpu.memref_slice %arg3[%add3A_34, %dma_start3A_81] : memref<20480x128xf32, #tpu.memory_space<hbm>> -> memref<128x128xf32, #tpu.memory_space<hbm>>
      %dma_start3A_83 = arith.constant 0 : i32
      %dma_start3A_84 = tpu.memref_slice %arg3[%add3A_34, %dma_start3A_83] : memref<20480x128xf32, #tpu.memory_space<hbm>> -> memref<128x128xf32, #tpu.memory_space<hbm>>
      tpu.enqueue_dma source(%dma_start3A_84 : memref<128x128xf32, #tpu.memory_space<hbm>>) target(%arg6 : memref<128x128xf32, #tpu.memory_space<vmem>>) target_semaphore(%run_scoped3A : memref<!tpu.dma_semaphore, #tpu.memory_space<semaphore_mem>>)
      %dma_wait3A_85 = arith.constant 0 : i32
      %dma_wait3A_86 = tpu.memref_slice %arg3[%add3A_34, %dma_wait3A_85] : memref<20480x128xf32, #tpu.memory_space<hbm>> -> memref<128x128xf32, #tpu.memory_space<hbm>>
      %dma_wait3A_87 = arith.constant 0 : i32
      %dma_wait3A_88 = tpu.memref_slice %arg3[%add3A_34, %dma_wait3A_87] : memref<20480x128xf32, #tpu.memory_space<hbm>> -> memref<128x128xf32, #tpu.memory_space<hbm>>
      tpu.wait_dma2 semaphore(%run_scoped3A : memref<!tpu.dma_semaphore, #tpu.memory_space<semaphore_mem>>) src(%dma_wait3A_88 : memref<128x128xf32, #tpu.memory_space<hbm>>) dst(%arg6 : memref<128x128xf32, #tpu.memory_space<vmem>>)
      tpu.yield
    }) : () -> ()
    %dma_start3A_35 = arith.constant 2 : i32
    %dma_start3A_36 = arith.constant 0 : i32
    %dma_start3A_37 = tpu.memref_slice %arg5[%dma_start3A_35, %dma_start3A_36] : memref<5x128xi32, #tpu.memory_space<vmem>> -> memref<1x128xi32, #tpu.memory_space<vmem>>
    %dma_start3A_38 = tpu.memref_squeeze %dma_start3A_37 : memref<1x128xi32, #tpu.memory_space<vmem>> -> memref<128xi32, #tpu.memory_space<vmem>>
    %dma_start3A_39 = arith.constant 0 : i32
    %dma_start3A_40 = arith.constant 0 : i32
    %dma_start3A_41 = tpu.memref_slice %arg4[%dma_start3A_39, %dma_start3A_40] : memref<20480x128xf32, #tpu.memory_space<hbm>> -> memref<20480x128xf32, #tpu.memory_space<hbm>>
    tpu.enqueue_indirect_dma source(%arg6 : memref<128x128xf32, #tpu.memory_space<vmem>>) target(%dma_start3A_41 : memref<20480x128xf32, #tpu.memory_space<hbm>>) offsets(%dma_start3A_38 : memref<128xi32, #tpu.memory_space<vmem>>) semaphore(%arg7 : memref<!tpu.dma_semaphore, #tpu.memory_space<semaphore_mem>>)
    %dma_wait3A_42 = arith.constant 2 : i32
    %dma_wait3A_43 = arith.constant 0 : i32
    %dma_wait3A_44 = tpu.memref_slice %arg5[%dma_wait3A_42, %dma_wait3A_43] : memref<5x128xi32, #tpu.memory_space<vmem>> -> memref<1x128xi32, #tpu.memory_space<vmem>>
    %dma_wait3A_45 = tpu.memref_squeeze %dma_wait3A_44 : memref<1x128xi32, #tpu.memory_space<vmem>> -> memref<128xi32, #tpu.memory_space<vmem>>
    %dma_wait3A_46 = arith.constant 0 : i32
    %dma_wait3A_47 = arith.constant 0 : i32
    %dma_wait3A_48 = tpu.memref_slice %arg4[%dma_wait3A_46, %dma_wait3A_47] : memref<20480x128xf32, #tpu.memory_space<hbm>> -> memref<20480x128xf32, #tpu.memory_space<hbm>>
    tpu.wait_indirect_dma semaphore(%arg7 : memref<!tpu.dma_semaphore, #tpu.memory_space<semaphore_mem>>) src(%arg6 : memref<128x128xf32, #tpu.memory_space<vmem>>) dst(%dma_wait3A_48 : memref<20480x128xf32, #tpu.memory_space<hbm>>)
    %add3A_49 = arith.constant 384 : i32
    %add3A_50 = arith.addi %mul3A_2, %add3A_49 : i32
    "tpu.region"() ({
      %run_scoped3A = tpu.sem_alloc : memref<!tpu.dma_semaphore, #tpu.memory_space<semaphore_mem>>
      %dma_start3A_81 = arith.constant 0 : i32
      %dma_start3A_82 = tpu.memref_slice %arg3[%add3A_50, %dma_start3A_81] : memref<20480x128xf32, #tpu.memory_space<hbm>> -> memref<128x128xf32, #tpu.memory_space<hbm>>
      %dma_start3A_83 = arith.constant 0 : i32
      %dma_start3A_84 = tpu.memref_slice %arg3[%add3A_50, %dma_start3A_83] : memref<20480x128xf32, #tpu.memory_space<hbm>> -> memref<128x128xf32, #tpu.memory_space<hbm>>
      tpu.enqueue_dma source(%dma_start3A_84 : memref<128x128xf32, #tpu.memory_space<hbm>>) target(%arg6 : memref<128x128xf32, #tpu.memory_space<vmem>>) target_semaphore(%run_scoped3A : memref<!tpu.dma_semaphore, #tpu.memory_space<semaphore_mem>>)
      %dma_wait3A_85 = arith.constant 0 : i32
      %dma_wait3A_86 = tpu.memref_slice %arg3[%add3A_50, %dma_wait3A_85] : memref<20480x128xf32, #tpu.memory_space<hbm>> -> memref<128x128xf32, #tpu.memory_space<hbm>>
      %dma_wait3A_87 = arith.constant 0 : i32
      %dma_wait3A_88 = tpu.memref_slice %arg3[%add3A_50, %dma_wait3A_87] : memref<20480x128xf32, #tpu.memory_space<hbm>> -> memref<128x128xf32, #tpu.memory_space<hbm>>
      tpu.wait_dma2 semaphore(%run_scoped3A : memref<!tpu.dma_semaphore, #tpu.memory_space<semaphore_mem>>) src(%dma_wait3A_88 : memref<128x128xf32, #tpu.memory_space<hbm>>) dst(%arg6 : memref<128x128xf32, #tpu.memory_space<vmem>>)
      tpu.yield
    }) : () -> ()
    %dma_start3A_51 = arith.constant 3 : i32
    %dma_start3A_52 = arith.constant 0 : i32
    %dma_start3A_53 = tpu.memref_slice %arg5[%dma_start3A_51, %dma_start3A_52] : memref<5x128xi32, #tpu.memory_space<vmem>> -> memref<1x128xi32, #tpu.memory_space<vmem>>
    %dma_start3A_54 = tpu.memref_squeeze %dma_start3A_53 : memref<1x128xi32, #tpu.memory_space<vmem>> -> memref<128xi32, #tpu.memory_space<vmem>>
    %dma_start3A_55 = arith.constant 0 : i32
    %dma_start3A_56 = arith.constant 0 : i32
    %dma_start3A_57 = tpu.memref_slice %arg4[%dma_start3A_55, %dma_start3A_56] : memref<20480x128xf32, #tpu.memory_space<hbm>> -> memref<20480x128xf32, #tpu.memory_space<hbm>>
    tpu.enqueue_indirect_dma source(%arg6 : memref<128x128xf32, #tpu.memory_space<vmem>>) target(%dma_start3A_57 : memref<20480x128xf32, #tpu.memory_space<hbm>>) offsets(%dma_start3A_54 : memref<128xi32, #tpu.memory_space<vmem>>) semaphore(%arg7 : memref<!tpu.dma_semaphore, #tpu.memory_space<semaphore_mem>>)
    %dma_wait3A_58 = arith.constant 3 : i32
    %dma_wait3A_59 = arith.constant 0 : i32
    %dma_wait3A_60 = tpu.memref_slice %arg5[%dma_wait3A_58, %dma_wait3A_59] : memref<5x128xi32, #tpu.memory_space<vmem>> -> memref<1x128xi32, #tpu.memory_space<vmem>>
    %dma_wait3A_61 = tpu.memref_squeeze %dma_wait3A_60 : memref<1x128xi32, #tpu.memory_space<vmem>> -> memref<128xi32, #tpu.memory_space<vmem>>
    %dma_wait3A_62 = arith.constant 0 : i32
    %dma_wait3A_63 = arith.constant 0 : i32
    %dma_wait3A_64 = tpu.memref_slice %arg4[%dma_wait3A_62, %dma_wait3A_63] : memref<20480x128xf32, #tpu.memory_space<hbm>> -> memref<20480x128xf32, #tpu.memory_space<hbm>>
    tpu.wait_indirect_dma semaphore(%arg7 : memref<!tpu.dma_semaphore, #tpu.memory_space<semaphore_mem>>) src(%arg6 : memref<128x128xf32, #tpu.memory_space<vmem>>) dst(%dma_wait3A_64 : memref<20480x128xf32, #tpu.memory_space<hbm>>)
    %add3A_65 = arith.constant 512 : i32
    %add3A_66 = arith.addi %mul3A_2, %add3A_65 : i32
    "tpu.region"() ({
      %run_scoped3A = tpu.sem_alloc : memref<!tpu.dma_semaphore, #tpu.memory_space<semaphore_mem>>
      %dma_start3A_81 = arith.constant 0 : i32
      %dma_start3A_82 = tpu.memref_slice %arg3[%add3A_66, %dma_start3A_81] : memref<20480x128xf32, #tpu.memory_space<hbm>> -> memref<128x128xf32, #tpu.memory_space<hbm>>
      %dma_start3A_83 = arith.constant 0 : i32
      %dma_start3A_84 = tpu.memref_slice %arg3[%add3A_66, %dma_start3A_83] : memref<20480x128xf32, #tpu.memory_space<hbm>> -> memref<128x128xf32, #tpu.memory_space<hbm>>
      tpu.enqueue_dma source(%dma_start3A_84 : memref<128x128xf32, #tpu.memory_space<hbm>>) target(%arg6 : memref<128x128xf32, #tpu.memory_space<vmem>>) target_semaphore(%run_scoped3A : memref<!tpu.dma_semaphore, #tpu.memory_space<semaphore_mem>>)
      %dma_wait3A_85 = arith.constant 0 : i32
      %dma_wait3A_86 = tpu.memref_slice %arg3[%add3A_66, %dma_wait3A_85] : memref<20480x128xf32, #tpu.memory_space<hbm>> -> memref<128x128xf32, #tpu.memory_space<hbm>>
      %dma_wait3A_87 = arith.constant 0 : i32
      %dma_wait3A_88 = tpu.memref_slice %arg3[%add3A_66, %dma_wait3A_87] : memref<20480x128xf32, #tpu.memory_space<hbm>> -> memref<128x128xf32, #tpu.memory_space<hbm>>
      tpu.wait_dma2 semaphore(%run_scoped3A : memref<!tpu.dma_semaphore, #tpu.memory_space<semaphore_mem>>) src(%dma_wait3A_88 : memref<128x128xf32, #tpu.memory_space<hbm>>) dst(%arg6 : memref<128x128xf32, #tpu.memory_space<vmem>>)
      tpu.yield
    }) : () -> ()
    %dma_start3A_67 = arith.constant 4 : i32
    %dma_start3A_68 = arith.constant 0 : i32
    %dma_start3A_69 = tpu.memref_slice %arg5[%dma_start3A_67, %dma_start3A_68] : memref<5x128xi32, #tpu.memory_space<vmem>> -> memref<1x128xi32, #tpu.memory_space<vmem>>
    %dma_start3A_70 = tpu.memref_squeeze %dma_start3A_69 : memref<1x128xi32, #tpu.memory_space<vmem>> -> memref<128xi32, #tpu.memory_space<vmem>>
    %dma_start3A_71 = arith.constant 0 : i32
    %dma_start3A_72 = arith.constant 0 : i32
    %dma_start3A_73 = tpu.memref_slice %arg4[%dma_start3A_71, %dma_start3A_72] : memref<20480x128xf32, #tpu.memory_space<hbm>> -> memref<20480x128xf32, #tpu.memory_space<hbm>>
    tpu.enqueue_indirect_dma source(%arg6 : memref<128x128xf32, #tpu.memory_space<vmem>>) target(%dma_start3A_73 : memref<20480x128xf32, #tpu.memory_space<hbm>>) offsets(%dma_start3A_70 : memref<128xi32, #tpu.memory_space<vmem>>) semaphore(%arg7 : memref<!tpu.dma_semaphore, #tpu.memory_space<semaphore_mem>>)
    %dma_wait3A_74 = arith.constant 4 : i32
    %dma_wait3A_75 = arith.constant 0 : i32
    %dma_wait3A_76 = tpu.memref_slice %arg5[%dma_wait3A_74, %dma_wait3A_75] : memref<5x128xi32, #tpu.memory_space<vmem>> -> memref<1x128xi32, #tpu.memory_space<vmem>>
    %dma_wait3A_77 = tpu.memref_squeeze %dma_wait3A_76 : memref<1x128xi32, #tpu.memory_space<vmem>> -> memref<128xi32, #tpu.memory_space<vmem>>
    %dma_wait3A_78 = arith.constant 0 : i32
    %dma_wait3A_79 = arith.constant 0 : i32
    %dma_wait3A_80 = tpu.memref_slice %arg4[%dma_wait3A_78, %dma_wait3A_79] : memref<20480x128xf32, #tpu.memory_space<hbm>> -> memref<20480x128xf32, #tpu.memory_space<hbm>>
    tpu.wait_indirect_dma semaphore(%arg7 : memref<!tpu.dma_semaphore, #tpu.memory_space<semaphore_mem>>) src(%arg6 : memref<128x128xf32, #tpu.memory_space<vmem>>) dst(%dma_wait3A_80 : memref<20480x128xf32, #tpu.memory_space<hbm>>)
    return
  }
}

module attributes {stable_mosaic.version = 14 : i64} {
  func.func @_nms_kernel(%arg0: memref<1024x151xf32, #tpu.memory_space<vmem>>, %arg1: memref<160x1024xf32, #tpu.memory_space<vmem>>, %arg2: memref<160x1024xf32, #tpu.memory_space<vmem>>, %arg3: memref<160x1024xf32, #tpu.memory_space<vmem>>, %arg4: memref<160x1024xf32, #tpu.memory_space<vmem>>, %arg5: memref<8x1024xi32, #tpu.memory_space<vmem>>, %arg6: memref<8x1024xf32, #tpu.memory_space<vmem>>, %arg7: memref<160x1024xf32, #tpu.memory_space<vmem>>) attributes {dimension_semantics = [], scalar_prefetch = 0 : i64, scratch_operands = 1 : i64, tpu.core_type = #tpu.core_type<tc>} {
    %iota3A = tpu.iota {dimensions = array<i32: 0>} : vector<160x1024xi32>
    %iota3A_0 = tpu.iota {dimensions = array<i32: 1>} : vector<160x1024xi32>
    %iota3A_1 = tpu.iota {dimensions = array<i32: 1>} : vector<1x1024xi32>
    %get3A = arith.constant 0 : index
    %get3A_2 = arith.constant 0 : index
    %get3A_3 = vector.load %arg0[%get3A, %get3A_2] : memref<1024x151xf32, #tpu.memory_space<vmem>>, vector<1024x151xf32>
    %transpose3A = tpu.transpose %get3A_3, [1, 0] : vector<1024x151xf32> -> vector<151x1024xf32>
    %broadcast_in_dim3A = arith.constant -1.000000e+30 : f32
    %broadcast_in_dim3A_4 = vector.broadcast %broadcast_in_dim3A : f32 to vector<9x1024xf32>
    %concatenate3A = tpu.concatenate %transpose3A, %broadcast_in_dim3A_4 in 0 : vector<151x1024xf32>, vector<9x1024xf32> -> vector<160x1024xf32>
    %reduce_max3A = arith.constant dense<0xFF800000> : vector<1024xf32>
    %reduce_max3A_5 = vector.multi_reduction <maximumf>, %concatenate3A, %reduce_max3A [0] : vector<160x1024xf32> to vector<1024xf32>
    %broadcast_in_dim3A_6 = vector.shape_cast %reduce_max3A_5 : vector<1024xf32> to vector<1x1024xf32>
    %sub3A = vector.broadcast %broadcast_in_dim3A_6 : vector<1x1024xf32> to vector<160x1024xf32>
    %sub3A_7 = arith.subf %concatenate3A, %sub3A : vector<160x1024xf32>
    %exp3A = math.exp %sub3A_7 : vector<160x1024xf32>
    %reduce_sum3A = arith.constant dense<0.000000e+00> : vector<1024xf32>
    %reduce_sum3A_8 = vector.multi_reduction <add>, %exp3A, %reduce_sum3A [0] : vector<160x1024xf32> to vector<1024xf32>
    %broadcast_in_dim3A_9 = vector.shape_cast %reduce_sum3A_8 : vector<1024xf32> to vector<1x1024xf32>
    %div3A = vector.broadcast %broadcast_in_dim3A_9 : vector<1x1024xf32> to vector<160x1024xf32>
    %div3A_10 = arith.divf %exp3A, %div3A : vector<160x1024xf32>
    %eq3A = arith.constant 0 : i32
    %eq3A_11 = vector.broadcast %eq3A : i32 to vector<160x1024xi32>
    %eq3A_12 = arith.cmpi eq, %iota3A, %eq3A_11 : vector<160x1024xi32>
    %jit3A = arith.constant 0.000000e+00 : f32
    %broadcast_in_dim3A_13 = vector.broadcast %jit3A : f32 to vector<160x1024xf32>
    %select_n3A = arith.select %eq3A_12, %broadcast_in_dim3A_13, %div3A_10 : vector<160x1024xi1>, vector<160x1024xf32>
    %ge3A = arith.constant 151 : i32
    %ge3A_14 = vector.broadcast %ge3A : i32 to vector<160x1024xi32>
    %ge3A_15 = arith.cmpi sge, %iota3A, %ge3A_14 : vector<160x1024xi32>
    %jit3A_16 = arith.constant -2.000000e+00 : f32
    %broadcast_in_dim3A_17 = vector.broadcast %jit3A_16 : f32 to vector<160x1024xf32>
    %select_n3A_18 = arith.select %ge3A_15, %broadcast_in_dim3A_17, %select_n3A : vector<160x1024xi1>, vector<160x1024xf32>
    %ge3A_19 = arith.constant 1000 : i32
    %ge3A_20 = vector.broadcast %ge3A_19 : i32 to vector<160x1024xi32>
    %ge3A_21 = arith.cmpi sge, %iota3A_0, %ge3A_20 : vector<160x1024xi32>
    %jit3A_22 = arith.constant -2.000000e+00 : f32
    %broadcast_in_dim3A_23 = vector.broadcast %jit3A_22 : f32 to vector<160x1024xf32>
    %select_n3A_24 = arith.select %ge3A_21, %broadcast_in_dim3A_23, %select_n3A_18 : vector<160x1024xi1>, vector<160x1024xf32>
    %swap3A = arith.constant 0 : index
    %swap3A_25 = arith.constant 0 : index
    %swap3A_26 = vector.load %arg7[%swap3A, %swap3A_25] : memref<160x1024xf32, #tpu.memory_space<vmem>>, vector<160x1024xf32>
    tpu.vector_store %arg7[%swap3A, %swap3A_25], %select_n3A_24 {strides = array<i32>} : memref<160x1024xf32, #tpu.memory_space<vmem>>, vector<160x1024xf32>,
    %iota3A_27 = tpu.iota {dimensions = array<i32: 0>} : vector<160x1xi32>
    %get3A_28 = arith.constant 0 : index
    %get3A_29 = arith.constant 0 : index
    %get3A_30 = vector.load %arg7[%get3A_28, %get3A_29] : memref<160x1024xf32, #tpu.memory_space<vmem>>, vector<160x1024xf32>
    %reduce_max3A_31 = arith.constant dense<0xFF800000> : vector<1024xf32>
    %reduce_max3A_32 = vector.multi_reduction <maximumf>, %get3A_30, %reduce_max3A_31 [0] : vector<160x1024xf32> to vector<1024xf32>
    %broadcast_in_dim3A_33 = vector.shape_cast %reduce_max3A_32 : vector<1024xf32> to vector<1x1024xf32>
    %broadcast_in_dim3A_34 = arith.constant 0 : i32
    %broadcast_in_dim3A_35 = vector.broadcast %broadcast_in_dim3A_34 : i32 to vector<1x1024xi32>
    %scan3A = arith.constant 0 : i32
    %scan3A_36 = arith.constant 1000 : i32
    %scan3A_37 = arith.addi %scan3A, %scan3A_36 : i32
    %scan3A_38 = arith.constant 1 : i32
    %scan3A_39:2 = scf.for %scan3A_87 = %scan3A to %scan3A_37 step %scan3A_38 iter_args(%scan3A_88 = %broadcast_in_dim3A_35, %scan3A_89 = %broadcast_in_dim3A_33) -> (vector<1x1024xi32>, vector<1x1024xf32>)  : i32 {
      %get3A_90 = arith.constant 0 : index
      %get3A_91 = arith.constant 0 : index
      %get3A_92 = vector.load %arg7[%get3A_90, %get3A_91] : memref<160x1024xf32, #tpu.memory_space<vmem>>, vector<160x1024xf32>
      %reduce_max3A_93 = vector.shape_cast %scan3A_89 : vector<1x1024xf32> to vector<1x1x1024xf32>
      %reduce_max3A_94 = arith.constant dense<0xFF800000> : vector<1xf32>
      %reduce_max3A_95 = vector.multi_reduction <maximumf>, %reduce_max3A_93, %reduce_max3A_94 [1, 2] : vector<1x1x1024xf32> to vector<1xf32>
      %reduce_max3A_96 = vector.shape_cast %reduce_max3A_95 : vector<1xf32> to vector<1x1x1xf32>
      %reduce_max3A_97 = vector.extract %reduce_max3A_96[0, 0, 0] : f32 from vector<1x1x1xf32>
      %eq3A_98 = vector.broadcast %reduce_max3A_97 : f32 to vector<1x1024xf32>
      %eq3A_99 = arith.cmpf oeq, %scan3A_89, %eq3A_98 : vector<1x1024xf32>
      %jit3A_100 = arith.constant 1073741824 : i32
      %broadcast_in_dim3A_101 = vector.broadcast %jit3A_100 : i32 to vector<1x1024xi32>
      %select_n3A_102 = arith.select %eq3A_99, %iota3A_1, %broadcast_in_dim3A_101 : vector<1x1024xi1>, vector<1x1024xi32>
      %reduce_min3A = vector.shape_cast %select_n3A_102 : vector<1x1024xi32> to vector<1x1x1024xi32>
      %reduce_min3A_103 = arith.constant dense<2147483647> : vector<1xi32>
      %reduce_min3A_104 = vector.multi_reduction <minsi>, %reduce_min3A, %reduce_min3A_103 [1, 2] : vector<1x1x1024xi32> to vector<1xi32>
      %reduce_min3A_105 = vector.shape_cast %reduce_min3A_104 : vector<1xi32> to vector<1x1x1xi32>
      %reduce_min3A_106 = vector.extract %reduce_min3A_105[0, 0, 0] : i32 from vector<1x1x1xi32>
      %eq3A_107 = vector.broadcast %reduce_min3A_106 : i32 to vector<1x1024xi32>
      %eq3A_108 = arith.cmpi eq, %iota3A_1, %eq3A_107 : vector<1x1024xi32>
      %jit3A_109 = arith.constant -3.000000e+00 : f32
      %broadcast_in_dim3A_110 = vector.shape_cast %eq3A_108 : vector<1x1024xi1> to vector<1x1024xi1>
      %broadcast_in_dim3A_111 = vector.broadcast %broadcast_in_dim3A_110 : vector<1x1024xi1> to vector<160x1024xi1>
      %broadcast_in_dim3A_112 = vector.broadcast %jit3A_109 : f32 to vector<160x1024xf32>
      %select_n3A_113 = arith.select %broadcast_in_dim3A_111, %get3A_92, %broadcast_in_dim3A_112 : vector<160x1024xi1>, vector<160x1024xf32>
      %reduce_max3A_114 = arith.constant dense<0xFF800000> : vector<160xf32>
      %reduce_max3A_115 = vector.multi_reduction <maximumf>, %select_n3A_113, %reduce_max3A_114 [1] : vector<160x1024xf32> to vector<160xf32>
      %broadcast_in_dim3A_116 = vector.shape_cast %reduce_max3A_115 : vector<160xf32> to vector<160x1xf32>
      %reduce_max3A_117 = vector.shape_cast %broadcast_in_dim3A_116 : vector<160x1xf32> to vector<1x160x1xf32>
      %reduce_max3A_118 = arith.constant dense<0xFF800000> : vector<1xf32>
      %reduce_max3A_119 = vector.multi_reduction <maximumf>, %reduce_max3A_117, %reduce_max3A_118 [1, 2] : vector<1x160x1xf32> to vector<1xf32>
      %reduce_max3A_120 = vector.shape_cast %reduce_max3A_119 : vector<1xf32> to vector<1x1x1xf32>
      %reduce_max3A_121 = vector.extract %reduce_max3A_120[0, 0, 0] : f32 from vector<1x1x1xf32>
      %eq3A_122 = vector.broadcast %reduce_max3A_121 : f32 to vector<160x1xf32>
      %eq3A_123 = arith.cmpf oeq, %broadcast_in_dim3A_116, %eq3A_122 : vector<160x1xf32>
      %jit3A_124 = arith.constant 1073741824 : i32
      %broadcast_in_dim3A_125 = vector.broadcast %jit3A_124 : i32 to vector<160x1xi32>
      %select_n3A_126 = arith.select %eq3A_123, %iota3A_27, %broadcast_in_dim3A_125 : vector<160x1xi1>, vector<160x1xi32>
      %reduce_min3A_127 = vector.shape_cast %select_n3A_126 : vector<160x1xi32> to vector<1x160x1xi32>
      %reduce_min3A_128 = arith.constant dense<2147483647> : vector<1xi32>
      %reduce_min3A_129 = vector.multi_reduction <minsi>, %reduce_min3A_127, %reduce_min3A_128 [1, 2] : vector<1x160x1xi32> to vector<1xi32>
      %reduce_min3A_130 = vector.shape_cast %reduce_min3A_129 : vector<1xi32> to vector<1x1x1xi32>
      %reduce_min3A_131 = vector.extract %reduce_min3A_130[0, 0, 0] : i32 from vector<1x1x1xi32>
      %jit3A_132 = arith.constant 0 : i32
      %broadcast_in_dim3A_133 = vector.broadcast %jit3A_132 : i32 to vector<1x1024xi32>
      %select_n3A_134 = arith.select %eq3A_108, %scan3A_88, %broadcast_in_dim3A_133 : vector<1x1024xi1>, vector<1x1024xi32>
      %reduce_max3A_135 = vector.shape_cast %select_n3A_134 : vector<1x1024xi32> to vector<1x1x1024xi32>
      %reduce_max3A_136 = arith.constant dense<-2147483648> : vector<1xi32>
      %reduce_max3A_137 = vector.multi_reduction <maxsi>, %reduce_max3A_135, %reduce_max3A_136 [1, 2] : vector<1x1x1024xi32> to vector<1xi32>
      %reduce_max3A_138 = vector.shape_cast %reduce_max3A_137 : vector<1xi32> to vector<1x1x1xi32>
      %reduce_max3A_139 = vector.extract %reduce_max3A_138[0, 0, 0] : i32 from vector<1x1x1xi32>
      %gt3A = arith.constant 0 : i32
      %gt3A_140 = arith.cmpi sgt, %reduce_max3A_139, %gt3A : i32
      %select_n3A_141 = arith.select %gt3A_140, %reduce_max3A_139, %reduce_min3A_131 : i32
      %broadcast_in_dim3A_142 = vector.broadcast %select_n3A_141 : i32 to vector<1x1024xi32>
      %select_n3A_143 = arith.select %eq3A_108, %broadcast_in_dim3A_142, %scan3A_88 : vector<1x1024xi1>, vector<1x1024xi32>
      %get3A_144 = arith.index_cast %reduce_min3A_131 : i32 to index
      %get3A_145 = arith.constant 0 : index
      %get3A_146 = vector.load %arg1[%get3A_144, %get3A_145] : memref<160x1024xf32, #tpu.memory_space<vmem>>, vector<1x1024xf32>
      %get3A_147 = arith.index_cast %reduce_min3A_131 : i32 to index
      %get3A_148 = arith.constant 0 : index
      %get3A_149 = vector.load %arg2[%get3A_147, %get3A_148] : memref<160x1024xf32, #tpu.memory_space<vmem>>, vector<1x1024xf32>
      %get3A_150 = arith.index_cast %reduce_min3A_131 : i32 to index
      %get3A_151 = arith.constant 0 : index
      %get3A_152 = vector.load %arg3[%get3A_150, %get3A_151] : memref<160x1024xf32, #tpu.memory_space<vmem>>, vector<1x1024xf32>
      %get3A_153 = arith.index_cast %reduce_min3A_131 : i32 to index
      %get3A_154 = arith.constant 0 : index
      %get3A_155 = vector.load %arg4[%get3A_153, %get3A_154] : memref<160x1024xf32, #tpu.memory_space<vmem>>, vector<1x1024xf32>
      %jit3A_156 = arith.constant -1.000000e+30 : f32
      %broadcast_in_dim3A_157 = vector.broadcast %jit3A_156 : f32 to vector<1x1024xf32>
      %select_n3A_158 = arith.select %eq3A_108, %get3A_146, %broadcast_in_dim3A_157 : vector<1x1024xi1>, vector<1x1024xf32>
      %reduce_max3A_159 = vector.shape_cast %select_n3A_158 : vector<1x1024xf32> to vector<1x1x1024xf32>
      %reduce_max3A_160 = arith.constant dense<0xFF800000> : vector<1xf32>
      %reduce_max3A_161 = vector.multi_reduction <maximumf>, %reduce_max3A_159, %reduce_max3A_160 [1, 2] : vector<1x1x1024xf32> to vector<1xf32>
      %reduce_max3A_162 = vector.shape_cast %reduce_max3A_161 : vector<1xf32> to vector<1x1x1xf32>
      %reduce_max3A_163 = vector.extract %reduce_max3A_162[0, 0, 0] : f32 from vector<1x1x1xf32>
      %jit3A_164 = arith.constant -1.000000e+30 : f32
      %broadcast_in_dim3A_165 = vector.broadcast %jit3A_164 : f32 to vector<1x1024xf32>
      %select_n3A_166 = arith.select %eq3A_108, %get3A_149, %broadcast_in_dim3A_165 : vector<1x1024xi1>, vector<1x1024xf32>
      %reduce_max3A_167 = vector.shape_cast %select_n3A_166 : vector<1x1024xf32> to vector<1x1x1024xf32>
      %reduce_max3A_168 = arith.constant dense<0xFF800000> : vector<1xf32>
      %reduce_max3A_169 = vector.multi_reduction <maximumf>, %reduce_max3A_167, %reduce_max3A_168 [1, 2] : vector<1x1x1024xf32> to vector<1xf32>
      %reduce_max3A_170 = vector.shape_cast %reduce_max3A_169 : vector<1xf32> to vector<1x1x1xf32>
      %reduce_max3A_171 = vector.extract %reduce_max3A_170[0, 0, 0] : f32 from vector<1x1x1xf32>
      %jit3A_172 = arith.constant -1.000000e+30 : f32
      %broadcast_in_dim3A_173 = vector.broadcast %jit3A_172 : f32 to vector<1x1024xf32>
      %select_n3A_174 = arith.select %eq3A_108, %get3A_152, %broadcast_in_dim3A_173 : vector<1x1024xi1>, vector<1x1024xf32>
      %reduce_max3A_175 = vector.shape_cast %select_n3A_174 : vector<1x1024xf32> to vector<1x1x1024xf32>
      %reduce_max3A_176 = arith.constant dense<0xFF800000> : vector<1xf32>
      %reduce_max3A_177 = vector.multi_reduction <maximumf>, %reduce_max3A_175, %reduce_max3A_176 [1, 2] : vector<1x1x1024xf32> to vector<1xf32>
      %reduce_max3A_178 = vector.shape_cast %reduce_max3A_177 : vector<1xf32> to vector<1x1x1xf32>
      %reduce_max3A_179 = vector.extract %reduce_max3A_178[0, 0, 0] : f32 from vector<1x1x1xf32>
      %jit3A_180 = arith.constant -1.000000e+30 : f32
      %broadcast_in_dim3A_181 = vector.broadcast %jit3A_180 : f32 to vector<1x1024xf32>
      %select_n3A_182 = arith.select %eq3A_108, %get3A_155, %broadcast_in_dim3A_181 : vector<1x1024xi1>, vector<1x1024xf32>
      %reduce_max3A_183 = vector.shape_cast %select_n3A_182 : vector<1x1024xf32> to vector<1x1x1024xf32>
      %reduce_max3A_184 = arith.constant dense<0xFF800000> : vector<1xf32>
      %reduce_max3A_185 = vector.multi_reduction <maximumf>, %reduce_max3A_183, %reduce_max3A_184 [1, 2] : vector<1x1x1024xf32> to vector<1xf32>
      %reduce_max3A_186 = vector.shape_cast %reduce_max3A_185 : vector<1xf32> to vector<1x1x1xf32>
      %reduce_max3A_187 = vector.extract %reduce_max3A_186[0, 0, 0] : f32 from vector<1x1x1xf32>
      %min3A = vector.broadcast %reduce_max3A_179 : f32 to vector<1x1024xf32>
      %min3A_188 = arith.minimumf %min3A, %get3A_152 : vector<1x1024xf32>
      %max3A = vector.broadcast %reduce_max3A_163 : f32 to vector<1x1024xf32>
      %max3A_189 = arith.maximumf %max3A, %get3A_146 : vector<1x1024xf32>
      %sub3A_190 = arith.subf %min3A_188, %max3A_189 : vector<1x1024xf32>
      %max3A_191 = arith.constant 0.000000e+00 : f32
      %max3A_192 = vector.broadcast %max3A_191 : f32 to vector<1x1024xf32>
      %max3A_193 = arith.maximumf %sub3A_190, %max3A_192 : vector<1x1024xf32>
      %min3A_194 = vector.broadcast %reduce_max3A_187 : f32 to vector<1x1024xf32>
      %min3A_195 = arith.minimumf %min3A_194, %get3A_155 : vector<1x1024xf32>
      %max3A_196 = vector.broadcast %reduce_max3A_171 : f32 to vector<1x1024xf32>
      %max3A_197 = arith.maximumf %max3A_196, %get3A_149 : vector<1x1024xf32>
      %sub3A_198 = arith.subf %min3A_195, %max3A_197 : vector<1x1024xf32>
      %max3A_199 = arith.constant 0.000000e+00 : f32
      %max3A_200 = vector.broadcast %max3A_199 : f32 to vector<1x1024xf32>
      %max3A_201 = arith.maximumf %sub3A_198, %max3A_200 : vector<1x1024xf32>
      %mul3A = arith.mulf %max3A_193, %max3A_201 : vector<1x1024xf32>
      %sub3A_202 = arith.subf %reduce_max3A_179, %reduce_max3A_163 : f32
      %sub3A_203 = arith.subf %reduce_max3A_187, %reduce_max3A_171 : f32
      %mul3A_204 = arith.mulf %sub3A_202, %sub3A_203 : f32
      %sub3A_205 = arith.subf %get3A_152, %get3A_146 : vector<1x1024xf32>
      %sub3A_206 = arith.subf %get3A_155, %get3A_149 : vector<1x1024xf32>
      %mul3A_207 = arith.mulf %sub3A_205, %sub3A_206 : vector<1x1024xf32>
      %add3A = vector.broadcast %mul3A_204 : f32 to vector<1x1024xf32>
      %add3A_208 = arith.addf %add3A, %mul3A_207 : vector<1x1024xf32>
      %sub3A_209 = arith.subf %add3A_208, %mul3A : vector<1x1024xf32>
      %max3A_210 = arith.constant 9.99999996E-13 : f32
      %max3A_211 = vector.broadcast %max3A_210 : f32 to vector<1x1024xf32>
      %max3A_212 = arith.maximumf %sub3A_209, %max3A_211 : vector<1x1024xf32>
      %div3A_213 = arith.divf %mul3A, %max3A_212 : vector<1x1024xf32>
      %ge3A_214 = arith.constant 3.000000e-01 : f32
      %ge3A_215 = vector.broadcast %ge3A_214 : f32 to vector<1x1024xf32>
      %ge3A_216 = arith.cmpf oge, %div3A_213, %ge3A_215 : vector<1x1024xf32>
      %eq3A_217 = vector.broadcast %reduce_min3A_131 : i32 to vector<160x1024xi32>
      %eq3A_218 = arith.cmpi eq, %iota3A, %eq3A_217 : vector<160x1024xi32>
      %and3A = vector.broadcast %ge3A_216 : vector<1x1024xi1> to vector<160x1024xi1>
      %and3A_219 = arith.andi %eq3A_218, %and3A : vector<160x1024xi1>
      %jit3A_220 = arith.constant 0.000000e+00 : f32
      %broadcast_in_dim3A_221 = vector.broadcast %jit3A_220 : f32 to vector<160x1024xf32>
      %select_n3A_222 = arith.select %and3A_219, %broadcast_in_dim3A_221, %get3A_92 : vector<160x1024xi1>, vector<160x1024xf32>
      %eq3A_223 = vector.broadcast %reduce_min3A_106 : i32 to vector<160x1024xi32>
      %eq3A_224 = arith.cmpi eq, %iota3A_0, %eq3A_223 : vector<160x1024xi32>
      %jit3A_225 = arith.constant -1.000000e+00 : f32
      %broadcast_in_dim3A_226 = vector.broadcast %jit3A_225 : f32 to vector<160x1024xf32>
      %select_n3A_227 = arith.select %eq3A_224, %broadcast_in_dim3A_226, %select_n3A_222 : vector<160x1024xi1>, vector<160x1024xf32>
      %swap3A_228 = arith.constant 0 : index
      %swap3A_229 = arith.constant 0 : index
      %swap3A_230 = vector.load %arg7[%swap3A_228, %swap3A_229] : memref<160x1024xf32, #tpu.memory_space<vmem>>, vector<160x1024xf32>
      tpu.vector_store %arg7[%swap3A_228, %swap3A_229], %select_n3A_227 {strides = array<i32>} : memref<160x1024xf32, #tpu.memory_space<vmem>>, vector<160x1024xf32>,
      %reduce_max3A_231 = arith.constant dense<0xFF800000> : vector<1024xf32>
      %reduce_max3A_232 = vector.multi_reduction <maximumf>, %select_n3A_227, %reduce_max3A_231 [0] : vector<160x1024xf32> to vector<1024xf32>
      %broadcast_in_dim3A_233 = vector.shape_cast %reduce_max3A_232 : vector<1024xf32> to vector<1x1024xf32>
      scf.yield %select_n3A_143, %broadcast_in_dim3A_233 : vector<1x1024xi32>, vector<1x1024xf32>
    }
    %eq3A_40 = vector.broadcast %scan3A_39#0 : vector<1x1024xi32> to vector<160x1024xi32>
    %eq3A_41 = arith.cmpi eq, %iota3A, %eq3A_40 : vector<160x1024xi32>
    %broadcast_in_dim3A_42 = vector.shape_cast %scan3A_39#0 : vector<1x1024xi32> to vector<1x1024xi32>
    %broadcast_in_dim3A_43 = vector.broadcast %broadcast_in_dim3A_42 : vector<1x1024xi32> to vector<8x1024xi32>
    %swap3A_44 = arith.constant 0 : index
    %swap3A_45 = arith.constant 0 : index
    %swap3A_46 = vector.load %arg5[%swap3A_44, %swap3A_45] : memref<8x1024xi32, #tpu.memory_space<vmem>>, vector<8x1024xi32>
    tpu.vector_store %arg5[%swap3A_44, %swap3A_45], %broadcast_in_dim3A_43 {strides = array<i32>} : memref<8x1024xi32, #tpu.memory_space<vmem>>, vector<8x1024xi32>,
    %get3A_47 = arith.constant 0 : index
    %get3A_48 = arith.constant 0 : index
    %get3A_49 = vector.load %arg1[%get3A_47, %get3A_48] : memref<160x1024xf32, #tpu.memory_space<vmem>>, vector<160x1024xf32>
    %jit3A_50 = arith.constant 0.000000e+00 : f32
    %broadcast_in_dim3A_51 = vector.broadcast %jit3A_50 : f32 to vector<160x1024xf32>
    %select_n3A_52 = arith.select %eq3A_41, %get3A_49, %broadcast_in_dim3A_51 : vector<160x1024xi1>, vector<160x1024xf32>
    %reduce_sum3A_53 = arith.constant dense<0.000000e+00> : vector<1024xf32>
    %reduce_sum3A_54 = vector.multi_reduction <add>, %select_n3A_52, %reduce_sum3A_53 [0] : vector<160x1024xf32> to vector<1024xf32>
    %broadcast_in_dim3A_55 = vector.shape_cast %reduce_sum3A_54 : vector<1024xf32> to vector<1x1024xf32>
    %get3A_56 = arith.constant 0 : index
    %get3A_57 = arith.constant 0 : index
    %get3A_58 = vector.load %arg2[%get3A_56, %get3A_57] : memref<160x1024xf32, #tpu.memory_space<vmem>>, vector<160x1024xf32>
    %jit3A_59 = arith.constant 0.000000e+00 : f32
    %broadcast_in_dim3A_60 = vector.broadcast %jit3A_59 : f32 to vector<160x1024xf32>
    %select_n3A_61 = arith.select %eq3A_41, %get3A_58, %broadcast_in_dim3A_60 : vector<160x1024xi1>, vector<160x1024xf32>
    %reduce_sum3A_62 = arith.constant dense<0.000000e+00> : vector<1024xf32>
    %reduce_sum3A_63 = vector.multi_reduction <add>, %select_n3A_61, %reduce_sum3A_62 [0] : vector<160x1024xf32> to vector<1024xf32>
    %broadcast_in_dim3A_64 = vector.shape_cast %reduce_sum3A_63 : vector<1024xf32> to vector<1x1024xf32>
    %get3A_65 = arith.constant 0 : index
    %get3A_66 = arith.constant 0 : index
    %get3A_67 = vector.load %arg3[%get3A_65, %get3A_66] : memref<160x1024xf32, #tpu.memory_space<vmem>>, vector<160x1024xf32>
    %jit3A_68 = arith.constant 0.000000e+00 : f32
    %broadcast_in_dim3A_69 = vector.broadcast %jit3A_68 : f32 to vector<160x1024xf32>
    %select_n3A_70 = arith.select %eq3A_41, %get3A_67, %broadcast_in_dim3A_69 : vector<160x1024xi1>, vector<160x1024xf32>
    %reduce_sum3A_71 = arith.constant dense<0.000000e+00> : vector<1024xf32>
    %reduce_sum3A_72 = vector.multi_reduction <add>, %select_n3A_70, %reduce_sum3A_71 [0] : vector<160x1024xf32> to vector<1024xf32>
    %broadcast_in_dim3A_73 = vector.shape_cast %reduce_sum3A_72 : vector<1024xf32> to vector<1x1024xf32>
    %get3A_74 = arith.constant 0 : index
    %get3A_75 = arith.constant 0 : index
    %get3A_76 = vector.load %arg4[%get3A_74, %get3A_75] : memref<160x1024xf32, #tpu.memory_space<vmem>>, vector<160x1024xf32>
    %jit3A_77 = arith.constant 0.000000e+00 : f32
    %broadcast_in_dim3A_78 = vector.broadcast %jit3A_77 : f32 to vector<160x1024xf32>
    %select_n3A_79 = arith.select %eq3A_41, %get3A_76, %broadcast_in_dim3A_78 : vector<160x1024xi1>, vector<160x1024xf32>
    %reduce_sum3A_80 = arith.constant dense<0.000000e+00> : vector<1024xf32>
    %reduce_sum3A_81 = vector.multi_reduction <add>, %select_n3A_79, %reduce_sum3A_80 [0] : vector<160x1024xf32> to vector<1024xf32>
    %broadcast_in_dim3A_82 = vector.shape_cast %reduce_sum3A_81 : vector<1024xf32> to vector<1x1024xf32>
    %concatenate3A_83 = tpu.concatenate %broadcast_in_dim3A_55, %broadcast_in_dim3A_64, %broadcast_in_dim3A_73, %broadcast_in_dim3A_82, %broadcast_in_dim3A_55, %broadcast_in_dim3A_64, %broadcast_in_dim3A_73, %broadcast_in_dim3A_82 in 0 : vector<1x1024xf32>, vector<1x1024xf32>, vector<1x1024xf32>, vector<1x1024xf32>, vector<1x1024xf32>, vector<1x1024xf32>, vector<1x1024xf32>, vector<1x1024xf32> -> vector<8x1024xf32>
    %swap3A_84 = arith.constant 0 : index
    %swap3A_85 = arith.constant 0 : index
    %swap3A_86 = vector.load %arg6[%swap3A_84, %swap3A_85] : memref<8x1024xf32, #tpu.memory_space<vmem>>, vector<8x1024xf32>
    tpu.vector_store %arg6[%swap3A_84, %swap3A_85], %concatenate3A_83 {strides = array<i32>} : memref<8x1024xf32, #tpu.memory_space<vmem>>, vector<8x1024xf32>,
    return
  }
}

module attributes {stable_mosaic.version = 14 : i64} {
  func.func @_rel_kernel(%arg0: i32, %arg1: memref<256x51xf32, #tpu.memory_space<vmem>>, %arg2: memref<256x2xi32, #tpu.memory_space<vmem>>, %arg3: memref<8x1024xf32, #tpu.memory_space<vmem>>, %arg4: memref<256x128xf32, #tpu.memory_space<vmem>>, %arg5: memref<256x1xf32, #tpu.memory_space<vmem>>) attributes {dimension_semantics = [#tpu.dimension_semantics<arbitrary>], iteration_bounds = array<i64: 80>, scalar_prefetch = 0 : i64, scratch_operands = 0 : i64, tpu.core_type = #tpu.core_type<tc>, window_params = [{transform_indices = @transform_0, window_bounds = array<i64: 256, 51>}, {transform_indices = @transform_1, window_bounds = array<i64: 256, 2>}, {pipeline_mode = #tpu.pipeline_mode<synchronous>, transform_indices = @transform_2, window_bounds = array<i64: 8, 1024>}, {transform_indices = @transform_3, window_bounds = array<i64: 256, 128>}, {transform_indices = @transform_4, window_bounds = array<i64: 256, 1>}]} {
    %get3A = arith.constant 0 : index
    %get3A_0 = arith.constant 0 : index
    %get3A_1 = vector.load %arg1[%get3A, %get3A_0] : memref<256x51xf32, #tpu.memory_space<vmem>>, vector<256x51xf32>
    %iota3A = tpu.iota {dimensions = array<i32: 1>} : vector<256x51xi32>
    %ge3A = arith.constant 1 : i32
    %ge3A_2 = vector.broadcast %ge3A : i32 to vector<256x51xi32>
    %ge3A_3 = arith.cmpi sge, %iota3A, %ge3A_2 : vector<256x51xi32>
    %jit3A = arith.constant -1.000000e+00 : f32
    %broadcast_in_dim3A = vector.broadcast %jit3A : f32 to vector<256x51xf32>
    %select_n3A = arith.select %ge3A_3, %get3A_1, %broadcast_in_dim3A : vector<256x51xi1>, vector<256x51xf32>
    %reduce_max3A = arith.constant dense<0xFF800000> : vector<256xf32>
    %reduce_max3A_4 = vector.multi_reduction <maximumf>, %select_n3A, %reduce_max3A [1] : vector<256x51xf32> to vector<256xf32>
    %broadcast_in_dim3A_5 = vector.shape_cast %reduce_max3A_4 : vector<256xf32> to vector<256x1xf32>
    %eq3A = vector.broadcast %broadcast_in_dim3A_5 : vector<256x1xf32> to vector<256x51xf32>
    %eq3A_6 = arith.cmpf oeq, %get3A_1, %eq3A : vector<256x51xf32>
    %and3A = arith.andi %ge3A_3, %eq3A_6 : vector<256x51xi1>
    %jit3A_7 = arith.constant 1073741824 : i32
    %broadcast_in_dim3A_8 = vector.broadcast %jit3A_7 : i32 to vector<256x51xi32>
    %select_n3A_9 = arith.select %and3A, %iota3A, %broadcast_in_dim3A_8 : vector<256x51xi1>, vector<256x51xi32>
    %reduce_min3A = arith.constant dense<2147483647> : vector<256xi32>
    %reduce_min3A_10 = vector.multi_reduction <minsi>, %select_n3A_9, %reduce_min3A [1] : vector<256x51xi32> to vector<256xi32>
    %broadcast_in_dim3A_11 = vector.shape_cast %reduce_min3A_10 : vector<256xi32> to vector<256x1xi32>
    %iota3A_12 = tpu.iota {dimensions = array<i32: 1>} : vector<1x1024xi32>
    %get3A_13 = arith.constant 0 : index
    %get3A_14 = arith.constant 0 : index
    %get3A_15 = vector.load %arg3[%get3A_13, %get3A_14] : memref<8x1024xf32, #tpu.memory_space<vmem>>, vector<1x1024xf32>
    %get3A_16 = arith.constant 0 : index
    %get3A_17 = arith.constant 0 : index
    %get3A_18 = vector.load %arg2[%get3A_16, %get3A_17] : memref<256x2xi32, #tpu.memory_space<vmem>>, vector<256x1xi32>
    %get3A_19 = arith.constant 0 : index
    %get3A_20 = arith.constant 1 : index
    %get3A_21 = vector.load %arg2[%get3A_19, %get3A_20] : memref<256x2xi32, #tpu.memory_space<vmem>>, vector<256x1xi32>
    %eq3A_22 = vector.broadcast %get3A_18 : vector<256x1xi32> to vector<256x1024xi32>
    %eq3A_23 = vector.broadcast %iota3A_12 : vector<1x1024xi32> to vector<256x1024xi32>
    %eq3A_24 = arith.cmpi eq, %eq3A_22, %eq3A_23 : vector<256x1024xi32>
    %jit3A_25 = arith.constant 0.000000e+00 : f32
    %broadcast_in_dim3A_26 = vector.shape_cast %get3A_15 : vector<1x1024xf32> to vector<1x1024xf32>
    %broadcast_in_dim3A_27 = vector.broadcast %broadcast_in_dim3A_26 : vector<1x1024xf32> to vector<256x1024xf32>
    %broadcast_in_dim3A_28 = vector.broadcast %jit3A_25 : f32 to vector<256x1024xf32>
    %select_n3A_29 = arith.select %eq3A_24, %broadcast_in_dim3A_27, %broadcast_in_dim3A_28 : vector<256x1024xi1>, vector<256x1024xf32>
    %reduce_sum3A = arith.constant dense<0.000000e+00> : vector<256xf32>
    %reduce_sum3A_30 = vector.multi_reduction <add>, %select_n3A_29, %reduce_sum3A [1] : vector<256x1024xf32> to vector<256xf32>
    %broadcast_in_dim3A_31 = vector.shape_cast %reduce_sum3A_30 : vector<256xf32> to vector<256x1xf32>
    %eq3A_32 = vector.broadcast %get3A_21 : vector<256x1xi32> to vector<256x1024xi32>
    %eq3A_33 = vector.broadcast %iota3A_12 : vector<1x1024xi32> to vector<256x1024xi32>
    %eq3A_34 = arith.cmpi eq, %eq3A_32, %eq3A_33 : vector<256x1024xi32>
    %jit3A_35 = arith.constant 0.000000e+00 : f32
    %broadcast_in_dim3A_36 = vector.shape_cast %get3A_15 : vector<1x1024xf32> to vector<1x1024xf32>
    %broadcast_in_dim3A_37 = vector.broadcast %broadcast_in_dim3A_36 : vector<1x1024xf32> to vector<256x1024xf32>
    %broadcast_in_dim3A_38 = vector.broadcast %jit3A_35 : f32 to vector<256x1024xf32>
    %select_n3A_39 = arith.select %eq3A_34, %broadcast_in_dim3A_37, %broadcast_in_dim3A_38 : vector<256x1024xi1>, vector<256x1024xf32>
    %reduce_sum3A_40 = arith.constant dense<0.000000e+00> : vector<256xf32>
    %reduce_sum3A_41 = vector.multi_reduction <add>, %select_n3A_39, %reduce_sum3A_40 [1] : vector<256x1024xf32> to vector<256xf32>
    %broadcast_in_dim3A_42 = vector.shape_cast %reduce_sum3A_41 : vector<256xf32> to vector<256x1xf32>
    %mul3A = arith.mulf %broadcast_in_dim3A_5, %broadcast_in_dim3A_31 : vector<256x1xf32>
    %mul3A_43 = arith.mulf %mul3A, %broadcast_in_dim3A_42 : vector<256x1xf32>
    %mul3A_44 = arith.constant 256 : i32
    %mul3A_45 = arith.muli %arg0, %mul3A_44 : i32
    %iota3A_46 = tpu.iota {dimensions = array<i32: 0>} : vector<256x1xi32>
    %add3A = vector.broadcast %mul3A_45 : i32 to vector<256x1xi32>
    %add3A_47 = arith.addi %add3A, %iota3A_46 : vector<256x1xi32>
    %ge3A_48 = arith.constant 20000 : i32
    %ge3A_49 = vector.broadcast %ge3A_48 : i32 to vector<256x1xi32>
    %ge3A_50 = arith.cmpi sge, %add3A_47, %ge3A_49 : vector<256x1xi32>
    %jit3A_51 = arith.constant -1.000000e+00 : f32
    %broadcast_in_dim3A_52 = vector.broadcast %jit3A_51 : f32 to vector<256x1xf32>
    %select_n3A_53 = arith.select %ge3A_50, %broadcast_in_dim3A_52, %mul3A_43 : vector<256x1xi1>, vector<256x1xf32>
    %swap3A = arith.constant 0 : index
    %swap3A_54 = arith.constant 0 : index
    %swap3A_55 = vector.load %arg5[%swap3A, %swap3A_54] : memref<256x1xf32, #tpu.memory_space<vmem>>, vector<256x1xf32>
    tpu.vector_store %arg5[%swap3A, %swap3A_54], %select_n3A_53 {strides = array<i32>} : memref<256x1xf32, #tpu.memory_space<vmem>>, vector<256x1xf32>,
    %swap3A_56 = arith.constant 0 : index
    %swap3A_57 = arith.constant 0 : index
    %swap3A_58 = vector.load %arg4[%swap3A_56, %swap3A_57] : memref<256x128xf32, #tpu.memory_space<vmem>>, vector<256x51xf32>
    tpu.vector_store %arg4[%swap3A_56, %swap3A_57], %get3A_1 {strides = array<i32>} : memref<256x128xf32, #tpu.memory_space<vmem>>, vector<256x51xf32>,
    %concatenate3A = tpu.concatenate %get3A_18, %get3A_21, %broadcast_in_dim3A_11 in 1 : vector<256x1xi32>, vector<256x1xi32>, vector<256x1xi32> -> vector<256x3xi32>
    %bitcast_convert_type3A = tpu.bitcast %concatenate3A : vector<256x3xi32> -> vector<256x3xf32>
    %swap3A_59 = arith.constant 0 : index
    %swap3A_60 = arith.constant 51 : index
    %swap3A_61 = vector.load %arg4[%swap3A_59, %swap3A_60] : memref<256x128xf32, #tpu.memory_space<vmem>>, vector<256x3xf32>
    tpu.vector_store %arg4[%swap3A_59, %swap3A_60], %bitcast_convert_type3A {strides = array<i32>} : memref<256x128xf32, #tpu.memory_space<vmem>>, vector<256x3xf32>,
    %broadcast_in_dim3A_62 = arith.constant 0.000000e+00 : f32
    %broadcast_in_dim3A_63 = vector.broadcast %broadcast_in_dim3A_62 : f32 to vector<256x74xf32>
    %swap3A_64 = arith.constant 0 : index
    %swap3A_65 = arith.constant 54 : index
    %swap3A_66 = vector.load %arg4[%swap3A_64, %swap3A_65] : memref<256x128xf32, #tpu.memory_space<vmem>>, vector<256x74xf32>
    tpu.vector_store %arg4[%swap3A_64, %swap3A_65], %broadcast_in_dim3A_63 {strides = array<i32>} : memref<256x128xf32, #tpu.memory_space<vmem>>, vector<256x74xf32>,
    return
  }
  func.func @transform_0(%arg0: i32) -> (i32, i32) {
    %c0_i32 = arith.constant 0 : i32
    %c0_i32_0 = arith.constant 0 : i32
    return %arg0, %c0_i32 : i32, i32
  }
  func.func @transform_1(%arg0: i32) -> (i32, i32) {
    %c0_i32 = arith.constant 0 : i32
    %c0_i32_0 = arith.constant 0 : i32
    return %arg0, %c0_i32 : i32, i32
  }
  func.func @transform_2(%arg0: i32) -> (i32, i32) {
    %c0_i32 = arith.constant 0 : i32
    %c0_i32_0 = arith.constant 0 : i32
    %c0_i32_1 = arith.constant 0 : i32
    return %c0_i32, %c0_i32_0 : i32, i32
  }
  func.func @transform_3(%arg0: i32) -> (i32, i32) {
    %c0_i32 = arith.constant 0 : i32
    %c0_i32_0 = arith.constant 0 : i32
    return %arg0, %c0_i32 : i32, i32
  }
  func.func @transform_4(%arg0: i32) -> (i32, i32) {
    %c0_i32 = arith.constant 0 : i32
    %c0_i32_0 = arith.constant 0 : i32
    return %arg0, %c0_i32 : i32, i32
  }
}

module attributes {stable_mosaic.version = 14 : i64} {
  func.func @_rank_kernel(%arg0: i32, %arg1: memref<8x128xf32, #tpu.memory_space<vmem>>, %arg2: memref<160x128xf32, #tpu.memory_space<vmem>>, %arg3: memref<8x128xi32, #tpu.memory_space<vmem>>) attributes {dimension_semantics = [#tpu.dimension_semantics<arbitrary>], iteration_bounds = array<i64: 20>, scalar_prefetch = 0 : i64, scratch_operands = 0 : i64, tpu.core_type = #tpu.core_type<tc>, window_params = [{transform_indices = @transform_0, window_bounds = array<i64: 8, 128>}, {pipeline_mode = #tpu.pipeline_mode<synchronous>, transform_indices = @transform_1, window_bounds = array<i64: 160, 128>}, {transform_indices = @transform_2, window_bounds = array<i64: 8, 128>}]} {
    %get3A = arith.constant 0 : index
    %get3A_0 = arith.constant 0 : index
    %get3A_1 = vector.load %arg1[%get3A, %get3A_0] : memref<8x128xf32, #tpu.memory_space<vmem>>, vector<8x128xf32>
    %transpose3A = tpu.transpose %get3A_1, [1, 0] : vector<8x128xf32> -> vector<128x8xf32>
    %slice3A = vector.extract_strided_slice %transpose3A {offsets = [0, 0], sizes = [128, 1], strides = [1, 1]} : vector<128x8xf32> to vector<128x1xf32>
    %slice3A_2 = vector.extract_strided_slice %transpose3A {offsets = [0, 1], sizes = [128, 1], strides = [1, 1]} : vector<128x8xf32> to vector<128x1xf32>
    %slice3A_3 = vector.extract_strided_slice %transpose3A {offsets = [0, 2], sizes = [128, 1], strides = [1, 1]} : vector<128x8xf32> to vector<128x1xf32>
    %slice3A_4 = vector.extract_strided_slice %transpose3A {offsets = [0, 3], sizes = [128, 1], strides = [1, 1]} : vector<128x8xf32> to vector<128x1xf32>
    %slice3A_5 = vector.extract_strided_slice %transpose3A {offsets = [0, 4], sizes = [128, 1], strides = [1, 1]} : vector<128x8xf32> to vector<128x1xf32>
    %slice3A_6 = vector.extract_strided_slice %transpose3A {offsets = [0, 5], sizes = [128, 1], strides = [1, 1]} : vector<128x8xf32> to vector<128x1xf32>
    %slice3A_7 = vector.extract_strided_slice %transpose3A {offsets = [0, 6], sizes = [128, 1], strides = [1, 1]} : vector<128x8xf32> to vector<128x1xf32>
    %slice3A_8 = vector.extract_strided_slice %transpose3A {offsets = [0, 7], sizes = [128, 1], strides = [1, 1]} : vector<128x8xf32> to vector<128x1xf32>
    %concatenate3A = tpu.concatenate %slice3A, %slice3A_2, %slice3A_3, %slice3A_4, %slice3A_5, %slice3A_6, %slice3A_7, %slice3A_8 in 0 : vector<128x1xf32>, vector<128x1xf32>, vector<128x1xf32>, vector<128x1xf32>, vector<128x1xf32>, vector<128x1xf32>, vector<128x1xf32>, vector<128x1xf32> -> vector<1024x1xf32>
    %broadcast_in_dim3A = vector.shape_cast %concatenate3A : vector<1024x1xf32> to vector<1024x1xf32>
    %broadcast_in_dim3A_9 = vector.broadcast %broadcast_in_dim3A : vector<1024x1xf32> to vector<1024x128xf32>
    %mul3A = arith.constant 1024 : i32
    %mul3A_10 = arith.muli %arg0, %mul3A : i32
    %iota3A = tpu.iota {dimensions = array<i32: 0>} : vector<1024x1xi32>
    %add3A = vector.broadcast %mul3A_10 : i32 to vector<1024x1xi32>
    %add3A_11 = arith.addi %add3A, %iota3A : vector<1024x1xi32>
    %iota3A_12 = tpu.iota {dimensions = array<i32: 1>} : vector<1x128xi32>
    %mul3A_13 = arith.constant 8 : i32
    %mul3A_14 = arith.muli %arg0, %mul3A_13 : i32
    %add3A_15 = arith.constant 8 : i32
    %add3A_16 = arith.addi %mul3A_14, %add3A_15 : i32
    %broadcast_in_dim3A_17 = arith.constant 0 : i32
    %broadcast_in_dim3A_18 = vector.broadcast %broadcast_in_dim3A_17 : i32 to vector<1024x128xi32>
    %while3A = arith.constant 0 : i32
    %while3A_19 = arith.subi %mul3A_14, %while3A : i32
    %while3A_20 = arith.addi %while3A, %while3A_19 : i32
    %while3A_21 = arith.constant 1 : i32
    %while3A_22 = arith.divsi %while3A_19, %while3A_21 : i32
    %while3A_23 = arith.muli %while3A_22, %while3A_21 : i32
    %while3A_24 = arith.addi %while3A, %while3A_23 : i32
    %while3A_25 = arith.constant 1 : i32
    %while3A_26 = scf.for %while3A_64 = %while3A to %while3A_24 step %while3A_25 iter_args(%while3A_65 = %broadcast_in_dim3A_18) -> (vector<1024x128xi32>)  : i32 {
      %get3A_66 = arith.index_cast %while3A_64 : i32 to index
      %get3A_67 = arith.constant 0 : index
      %get3A_68 = vector.load %arg2[%get3A_66, %get3A_67] : memref<160x128xf32, #tpu.memory_space<vmem>>, vector<1x128xf32>
      %ge3A = vector.broadcast %get3A_68 : vector<1x128xf32> to vector<1024x128xf32>
      %ge3A_69 = arith.cmpf oge, %ge3A, %broadcast_in_dim3A_9 : vector<1024x128xf32>
      %convert_element_type3A = arith.extui %ge3A_69 : vector<1024x128xi1> to vector<1024x128xi32>
      %add3A_70 = arith.addi %while3A_65, %convert_element_type3A : vector<1024x128xi32>
      scf.yield %add3A_70 : vector<1024x128xi32>
    }
    %while3A_27 = arith.constant 1 : i32
    %while3A_28 = scf.for %while3A_64 = %while3A_24 to %while3A_20 step %while3A_27 iter_args(%while3A_65 = %while3A_26) -> (vector<1024x128xi32>)  : i32 {
      %get3A_66 = arith.index_cast %while3A_64 : i32 to index
      %get3A_67 = arith.constant 0 : index
      %get3A_68 = vector.load %arg2[%get3A_66, %get3A_67] : memref<160x128xf32, #tpu.memory_space<vmem>>, vector<1x128xf32>
      %ge3A = vector.broadcast %get3A_68 : vector<1x128xf32> to vector<1024x128xf32>
      %ge3A_69 = arith.cmpf oge, %ge3A, %broadcast_in_dim3A_9 : vector<1024x128xf32>
      %convert_element_type3A = arith.extui %ge3A_69 : vector<1024x128xi1> to vector<1024x128xi32>
      %add3A_70 = arith.addi %while3A_65, %convert_element_type3A : vector<1024x128xi32>
      scf.yield %add3A_70 : vector<1024x128xi32>
    }
    %while3A_29 = arith.subi %add3A_16, %mul3A_14 : i32
    %while3A_30 = arith.addi %mul3A_14, %while3A_29 : i32
    %while3A_31 = arith.constant 1 : i32
    %while3A_32 = arith.divsi %while3A_29, %while3A_31 : i32
    %while3A_33 = arith.muli %while3A_32, %while3A_31 : i32
    %while3A_34 = arith.addi %mul3A_14, %while3A_33 : i32
    %while3A_35 = arith.constant 1 : i32
    %while3A_36 = scf.for %while3A_64 = %mul3A_14 to %while3A_34 step %while3A_35 iter_args(%while3A_65 = %while3A_28) -> (vector<1024x128xi32>)  : i32 {
      %get3A_66 = arith.index_cast %while3A_64 : i32 to index
      %get3A_67 = arith.constant 0 : index
      %get3A_68 = vector.load %arg2[%get3A_66, %get3A_67] : memref<160x128xf32, #tpu.memory_space<vmem>>, vector<1x128xf32>
      %mul3A_69 = arith.constant 128 : i32
      %mul3A_70 = arith.muli %while3A_64, %mul3A_69 : i32
      %add3A_71 = vector.broadcast %mul3A_70 : i32 to vector<1x128xi32>
      %add3A_72 = arith.addi %add3A_71, %iota3A_12 : vector<1x128xi32>
      %gt3A = vector.broadcast %get3A_68 : vector<1x128xf32> to vector<1024x128xf32>
      %gt3A_73 = arith.cmpf ogt, %gt3A, %broadcast_in_dim3A_9 : vector<1024x128xf32>
      %convert_element_type3A = arith.extui %gt3A_73 : vector<1024x128xi1> to vector<1024x128xi32>
      %eq3A = vector.broadcast %get3A_68 : vector<1x128xf32> to vector<1024x128xf32>
      %eq3A_74 = arith.cmpf oeq, %eq3A, %broadcast_in_dim3A_9 : vector<1024x128xf32>
      %lt3A = vector.broadcast %add3A_72 : vector<1x128xi32> to vector<1024x128xi32>
      %lt3A_75 = vector.broadcast %add3A_11 : vector<1024x1xi32> to vector<1024x128xi32>
      %lt3A_76 = arith.cmpi slt, %lt3A, %lt3A_75 : vector<1024x128xi32>
      %and3A = arith.andi %eq3A_74, %lt3A_76 : vector<1024x128xi1>
      %add3A_77 = arith.addi %while3A_65, %convert_element_type3A : vector<1024x128xi32>
      %convert_element_type3A_78 = arith.extui %and3A : vector<1024x128xi1> to vector<1024x128xi32>
      %add3A_79 = arith.addi %add3A_77, %convert_element_type3A_78 : vector<1024x128xi32>
      scf.yield %add3A_79 : vector<1024x128xi32>
    }
    %while3A_37 = arith.constant 1 : i32
    %while3A_38 = scf.for %while3A_64 = %while3A_34 to %while3A_30 step %while3A_37 iter_args(%while3A_65 = %while3A_36) -> (vector<1024x128xi32>)  : i32 {
      %get3A_66 = arith.index_cast %while3A_64 : i32 to index
      %get3A_67 = arith.constant 0 : index
      %get3A_68 = vector.load %arg2[%get3A_66, %get3A_67] : memref<160x128xf32, #tpu.memory_space<vmem>>, vector<1x128xf32>
      %mul3A_69 = arith.constant 128 : i32
      %mul3A_70 = arith.muli %while3A_64, %mul3A_69 : i32
      %add3A_71 = vector.broadcast %mul3A_70 : i32 to vector<1x128xi32>
      %add3A_72 = arith.addi %add3A_71, %iota3A_12 : vector<1x128xi32>
      %gt3A = vector.broadcast %get3A_68 : vector<1x128xf32> to vector<1024x128xf32>
      %gt3A_73 = arith.cmpf ogt, %gt3A, %broadcast_in_dim3A_9 : vector<1024x128xf32>
      %convert_element_type3A = arith.extui %gt3A_73 : vector<1024x128xi1> to vector<1024x128xi32>
      %eq3A = vector.broadcast %get3A_68 : vector<1x128xf32> to vector<1024x128xf32>
      %eq3A_74 = arith.cmpf oeq, %eq3A, %broadcast_in_dim3A_9 : vector<1024x128xf32>
      %lt3A = vector.broadcast %add3A_72 : vector<1x128xi32> to vector<1024x128xi32>
      %lt3A_75 = vector.broadcast %add3A_11 : vector<1024x1xi32> to vector<1024x128xi32>
      %lt3A_76 = arith.cmpi slt, %lt3A, %lt3A_75 : vector<1024x128xi32>
      %and3A = arith.andi %eq3A_74, %lt3A_76 : vector<1024x128xi1>
      %add3A_77 = arith.addi %while3A_65, %convert_element_type3A : vector<1024x128xi32>
      %convert_element_type3A_78 = arith.extui %and3A : vector<1024x128xi1> to vector<1024x128xi32>
      %add3A_79 = arith.addi %add3A_77, %convert_element_type3A_78 : vector<1024x128xi32>
      scf.yield %add3A_79 : vector<1024x128xi32>
    }
    %while3A_39 = arith.constant 160 : i32
    %while3A_40 = arith.subi %while3A_39, %add3A_16 : i32
    %while3A_41 = arith.addi %add3A_16, %while3A_40 : i32
    %while3A_42 = arith.constant 1 : i32
    %while3A_43 = arith.divsi %while3A_40, %while3A_42 : i32
    %while3A_44 = arith.muli %while3A_43, %while3A_42 : i32
    %while3A_45 = arith.addi %add3A_16, %while3A_44 : i32
    %while3A_46 = arith.constant 1 : i32
    %while3A_47 = scf.for %while3A_64 = %add3A_16 to %while3A_45 step %while3A_46 iter_args(%while3A_65 = %while3A_38) -> (vector<1024x128xi32>)  : i32 {
      %get3A_66 = arith.index_cast %while3A_64 : i32 to index
      %get3A_67 = arith.constant 0 : index
      %get3A_68 = vector.load %arg2[%get3A_66, %get3A_67] : memref<160x128xf32, #tpu.memory_space<vmem>>, vector<1x128xf32>
      %gt3A = vector.broadcast %get3A_68 : vector<1x128xf32> to vector<1024x128xf32>
      %gt3A_69 = arith.cmpf ogt, %gt3A, %broadcast_in_dim3A_9 : vector<1024x128xf32>
      %convert_element_type3A = arith.extui %gt3A_69 : vector<1024x128xi1> to vector<1024x128xi32>
      %add3A_70 = arith.addi %while3A_65, %convert_element_type3A : vector<1024x128xi32>
      scf.yield %add3A_70 : vector<1024x128xi32>
    }
    %while3A_48 = arith.constant 1 : i32
    %while3A_49 = scf.for %while3A_64 = %while3A_45 to %while3A_41 step %while3A_48 iter_args(%while3A_65 = %while3A_47) -> (vector<1024x128xi32>)  : i32 {
      %get3A_66 = arith.index_cast %while3A_64 : i32 to index
      %get3A_67 = arith.constant 0 : index
      %get3A_68 = vector.load %arg2[%get3A_66, %get3A_67] : memref<160x128xf32, #tpu.memory_space<vmem>>, vector<1x128xf32>
      %gt3A = vector.broadcast %get3A_68 : vector<1x128xf32> to vector<1024x128xf32>
      %gt3A_69 = arith.cmpf ogt, %gt3A, %broadcast_in_dim3A_9 : vector<1024x128xf32>
      %convert_element_type3A = arith.extui %gt3A_69 : vector<1024x128xi1> to vector<1024x128xi32>
      %add3A_70 = arith.addi %while3A_65, %convert_element_type3A : vector<1024x128xi32>
      scf.yield %add3A_70 : vector<1024x128xi32>
    }
    %reduce_sum3A = arith.constant dense<0> : vector<1024xi32>
    %reduce_sum3A_50 = vector.multi_reduction <add>, %while3A_49, %reduce_sum3A [1] : vector<1024x128xi32> to vector<1024xi32>
    %broadcast_in_dim3A_51 = vector.shape_cast %reduce_sum3A_50 : vector<1024xi32> to vector<1024x1xi32>
    %slice3A_52 = vector.extract_strided_slice %broadcast_in_dim3A_51 {offsets = [0, 0], sizes = [128, 1], strides = [1, 1]} : vector<1024x1xi32> to vector<128x1xi32>
    %slice3A_53 = vector.extract_strided_slice %broadcast_in_dim3A_51 {offsets = [128, 0], sizes = [128, 1], strides = [1, 1]} : vector<1024x1xi32> to vector<128x1xi32>
    %slice3A_54 = vector.extract_strided_slice %broadcast_in_dim3A_51 {offsets = [256, 0], sizes = [128, 1], strides = [1, 1]} : vector<1024x1xi32> to vector<128x1xi32>
    %slice3A_55 = vector.extract_strided_slice %broadcast_in_dim3A_51 {offsets = [384, 0], sizes = [128, 1], strides = [1, 1]} : vector<1024x1xi32> to vector<128x1xi32>
    %slice3A_56 = vector.extract_strided_slice %broadcast_in_dim3A_51 {offsets = [512, 0], sizes = [128, 1], strides = [1, 1]} : vector<1024x1xi32> to vector<128x1xi32>
    %slice3A_57 = vector.extract_strided_slice %broadcast_in_dim3A_51 {offsets = [640, 0], sizes = [128, 1], strides = [1, 1]} : vector<1024x1xi32> to vector<128x1xi32>
    %slice3A_58 = vector.extract_strided_slice %broadcast_in_dim3A_51 {offsets = [768, 0], sizes = [128, 1], strides = [1, 1]} : vector<1024x1xi32> to vector<128x1xi32>
    %slice3A_59 = vector.extract_strided_slice %broadcast_in_dim3A_51 {offsets = [896, 0], sizes = [128, 1], strides = [1, 1]} : vector<1024x1xi32> to vector<128x1xi32>
    %concatenate3A_60 = tpu.concatenate %slice3A_52, %slice3A_53, %slice3A_54, %slice3A_55, %slice3A_56, %slice3A_57, %slice3A_58, %slice3A_59 in 1 : vector<128x1xi32>, vector<128x1xi32>, vector<128x1xi32>, vector<128x1xi32>, vector<128x1xi32>, vector<128x1xi32>, vector<128x1xi32>, vector<128x1xi32> -> vector<128x8xi32>
    %transpose3A_61 = tpu.transpose %concatenate3A_60, [1, 0] : vector<128x8xi32> -> vector<8x128xi32>
    %swap3A = arith.constant 0 : index
    %swap3A_62 = arith.constant 0 : index
    %swap3A_63 = vector.load %arg3[%swap3A, %swap3A_62] : memref<8x128xi32, #tpu.memory_space<vmem>>, vector<8x128xi32>
    tpu.vector_store %arg3[%swap3A, %swap3A_62], %transpose3A_61 {strides = array<i32>} : memref<8x128xi32, #tpu.memory_space<vmem>>, vector<8x128xi32>,
    return
  }
  func.func @transform_0(%arg0: i32) -> (i32, i32) {
    %c0_i32 = arith.constant 0 : i32
    %c0_i32_0 = arith.constant 0 : i32
    return %arg0, %c0_i32 : i32, i32
  }
  func.func @transform_1(%arg0: i32) -> (i32, i32) {
    %c0_i32 = arith.constant 0 : i32
    %c0_i32_0 = arith.constant 0 : i32
    %c0_i32_1 = arith.constant 0 : i32
    return %c0_i32, %c0_i32_0 : i32, i32
  }
  func.func @transform_2(%arg0: i32) -> (i32, i32) {
    %c0_i32 = arith.constant 0 : i32
    %c0_i32_0 = arith.constant 0 : i32
    return %arg0, %c0_i32 : i32, i32
  }
}

</mosaic_0001>

<sc_bundles>
// kernel: kernel.6.cloned.1.call-start
scs
__scs_entry_jumppad:
0x0: {  	(pc) =	sbr.rel $0x88, $3  }
0x1: {  	(tag) =	ssettag $0x0;
	lr =	simm.s32 $0x1  }
0x2: {  	[smem:$0x3F9D] =	sst lr;
	_ =	strace $0xD0000000  }
0x3: {  	_ = 	snop  }
0x4: {  	_ = 	snop  }
0x5: {  	_ = 	snop  }
0x6: {  	_ = 	snop  }
0x7: {  	_ = 	snop  }
__scs_overlays_trampoline_lowered:
0x8: {  	[smem:$0x3FAC] =	sst s0  }
0x9: {  	[smem:$0x3FAD] =	sst s1  }
0xa: {  	[smem:$0x3FAE] =	sst s2  }
0xb: {  	[smem:$0x3FAF] =	sst s3  }
0xc: {  	[smem:$0x3FB0] =	sst s4  }
0xd: {  	[smem:$0x3FB1] =	sst s5  }
0xe: {  	[smem:$0x3FB2] =	sst s6  }
0xf: {  	[smem:$0x3FB3] =	sst s7  }
0x10: {  	[smem:$0x3FB4] =	sst s8  }
0x11: {  	[smem:$0x3FB5] =	sst s9;
	s0 =	simm.s32 @!p0 $0x0  }
0x12: {  	s1 =	sld [smem:$0x3F9B];
	s0 =	simm.s32 @p0 $0x1  }
0x13: {  	[smem:$0x3FB6] =	sst s0;
	s0 =	simm.s32 @!p1 $0x0  }
0x14: {  	s2 =	sld [smem:$0x3F9A];
	s0 =	simm.s32 @p1 $0x1  }
0x15: {  	[smem:$0x3FB7] =	sst s0;
	s0 =	simm.s32 @!p2 $0x0  }
0x16: {  	s3 =	sld [smem:$0x3FDB];
	s0 =	simm.s32 @p2 $0x1  }
0x17: {  	s4 =	simm.s32 $0x1BF5;
	[smem:$0x3FB9] =	sst s0  }
0x18: {  	s0 =	sld [smem:$0x3F9C];
	_ =	swait.ge [sflag:s4], $0x0  }
0x19: {  	s7 =	sld [smem:$0x3F9D]  }
0x1a: {  	s8 =	sadd.s32 $0xFFFFE003, lr  }
0x1b: {  	s9 =	sadd.s32 $0xFFFFFEF7, lr;
	s5 =	simm.s32 $0xFFFFFFFF;
	p2 =	slt.u32 s8, $0xFFFFF086  }
0x1c: {  	p1 =	slt.u32 s9, $0xF7A;
	s5 =	simm.s32 @!p2 $0x0  }
0x1d: {  	s5 =	simm.s32 @p1 $0x1;
	p0 =	seq.s32 s7, s2  }
0x1e: {  	s7 =	smul.u32 @!p0 $0xF7A, s2;
	p2 =	seq.s32 @!p0 s5, $0x0  }
0x1f: {  	s9 =	smul.u32 $0xF7A, s1;
	s8 =	simm.s32 @!p0 $0x1BF5;
	p2 =	por !p2, p0  }
0x20: {  	[sflag:s8] =	ssyncset.s32 @!p0 $0xFFFFF086;
	s6 =	sadd.s32 @!p0 s3, s7;
	s7 =	simm.s32 @!p0 $0x108  }
0x21: {  	s3 =	sadd.s32 s3, s9;
	s6 =	sadd.s32 @!p0 $0x88, s6;
	s7 =	simm.s32 @p2 $0x1082  }
0x22: {  	[simem:s7], [sflag:s8] =	dma.local @!p0 [hbm:s6], $0xF7A  }
0x23: {  	s9 =	sor.u32 $0xD0000000, s2;
	s6 =	simm.s32 $0x108;
	_ =	swait.ge @!p0 [sflag:s8], $0x0  }
0x24: {  	s3 =	sadd.s32 $0x88, s3;
	s6 =	simm.s32 @!p1 $0x1082;
	[sflag:s4] =	ssyncset.s32 $0xFFFFF086  }
0x25: {  	[simem:s6], [sflag:s4] =	dma.local [hbm:s3], $0xF7A  }
0x26: {  	[smem:$0x3F9D] =	sst s1;
	(tag) =	ssettag s2;
	_ =	strace s9  }
0x27: {  	s1 =	sld [smem:$0x3FAD]  }
0x28: {  	s2 =	sld [smem:$0x3FAE]  }
0x29: {  	s4 =	sld [smem:$0x3FB0]  }
0x2a: {  	p0 =	seq.s32 s5, $0x0;
	s5 =	sld [smem:$0x3FB1]  }
0x2b: {  	s6 =	sld [smem:$0x3FB2]  }
0x2c: {  	s7 =	sld [smem:$0x3FB3]  }
0x2d: {  	s3 =	simm.s32 $0x108;
	s8 =	sld [smem:$0x3FB4]  }
0x2e: {  	s3 =	simm.s32 @!p0 $0x1082;
	s9 =	sld [smem:$0x3FB5]  }
0x2f: {  	lr =	sadd.s32 s0, s3;
	s0 =	sld [smem:$0x3FAC]  }
0x30: {  	s3 =	sld [smem:$0x3FAF]  }
0x31: {  	[smem:$0x3FB8] =	sst s10  }
0x32: {  	s10 =	sld [smem:$0x3FB6];
	_ =	sdelay $0x3  }
0x33: {  	p0 =	seq.s32 s10, $0x1;
	s10 =	sld [smem:$0x3FB8];
	_ =	sdelay $0x3  }
0x34: {  	[smem:$0x3FB8] =	sst s10  }
0x35: {  	s10 =	sld [smem:$0x3FB7];
	_ =	sdelay $0x3  }
0x36: {  	p1 =	seq.s32 s10, $0x1;
	s10 =	sld [smem:$0x3FB8];
	_ =	sdelay $0x3  }
0x37: {  	[smem:$0x3FB8] =	sst s10  }
0x38: {  	s10 =	sld [smem:$0x3FB9]  }
0x39: {  	_ = 	snop;
	(pc) =	sbr.ind lr, $3  }
0x3a: {  	_ = 	snop  }
0x3b: {  	_ = 	snop  }
0x3c: {  	p2 =	seq.s32 s10, $0x1;
	s10 =	sld [smem:$0x3FB8]  }
0x3d: {  	_ =	shalt  }
0x3e: {  	_ =	shalt  }
0x3f: {  	_ =	shalt  }
0x40: {  	_ =	shalt  }
0x41: {  	_ =	shalt  }
0x42: {  	_ =	shalt  }
0x43: {  	_ =	shalt  }
0x44: {  	_ =	shalt  }
0x45: {  	_ =	shalt  }
0x46: {  	_ =	shalt  }
0x47: {  	_ =	shalt  }
0x48: {  	_ =	shalt  }
0x49: {  	_ =	shalt  }
0x4a: {  	_ =	shalt  }
0x4b: {  	_ =	shalt  }
0x4c: {  	_ =	shalt  }
0x4d: {  	_ =	shalt  }
0x4e: {  	_ =	shalt  }
0x4f: {  	_ =	shalt  }
0x50: {  	_ =	shalt  }
0x51: {  	_ =	shalt  }
0x52: {  	_ =	shalt  }
0x53: {  	_ =	shalt  }
0x54: {  	_ =	shalt  }
0x55: {  	_ =	shalt  }
0x56: {  	_ =	shalt  }
0x57: {  	_ =	shalt  }
0x58: {  	_ =	shalt  }
0x59: {  	_ =	shalt  }
0x5a: {  	_ =	shalt  }
0x5b: {  	_ =	shalt  }
0x5c: {  	_ =	shalt  }
0x5d: {  	_ =	shalt  }
0x5e: {  	_ =	shalt  }
0x5f: {  	_ =	shalt  }
0x60: {  	_ =	shalt  }
0x61: {  	_ =	shalt  }
0x62: {  	_ =	shalt  }
0x63: {  	_ =	shalt  }
0x64: {  	_ =	shalt  }
0x65: {  	_ =	shalt  }
0x66: {  	_ =	shalt  }
0x67: {  	_ =	shalt  }
0x68: {  	_ =	shalt  }
0x69: {  	_ =	shalt  }
0x6a: {  	_ =	shalt  }
0x6b: {  	_ =	shalt  }
0x6c: {  	_ =	shalt  }
0x6d: {  	_ =	shalt  }
0x6e: {  	_ =	shalt  }
0x6f: {  	_ =	shalt  }
0x70: {  	_ =	shalt  }
0x71: {  	_ =	shalt  }
0x72: {  	_ =	shalt  }
0x73: {  	_ =	shalt  }
0x74: {  	_ =	shalt  }
0x75: {  	_ =	shalt  }
0x76: {  	_ =	shalt  }
0x77: {  	_ =	shalt  }
0x78: {  	_ =	shalt  }
0x79: {  	_ =	shalt  }
0x7a: {  	_ =	shalt  }
0x7b: {  	_ =	shalt  }
0x7c: {  	_ =	shalt  }
0x7d: {  	_ =	shalt  }
0x7e: {  	_ =	shalt  }
0x7f: {  	_ =	shalt  }
0x80: {  	_ =	shalt  }
0x81: {  	_ =	shalt  }
0x82: {  	_ =	shalt  }
0x83: {  	_ =	shalt  }
0x84: {  	_ =	shalt  }
0x85: {  	_ =	shalt  }
0x86: {  	_ =	shalt  }
0x87: {  	_ =	shalt  }
.Lfunc_end0:
.L_simem_size_0:
called_computation_lowered:
.L_overlay_start_0:
0x88: {  	s2 =	sld [smem:$0x3FD9]  }
0x89: {  	s3 =	sld [smem:$0x3FFE];
	_ =	sdelay $0x1  }
0x8a: {  	s1 =	srdreg.scid  }
0x8b: {  	s0 =	sand.u32 $0x1, s1  }
0x8c: {  	s14 =	sshll.u32 s0, $0xA;
	s2 =	sadd.s32 s3, s2  }
0x8d: {  	s2 =	sadd.s32 s2, s14  }
0x8e: {  	[smem:$0x3FC4] =	sst s2  }
0x8f: {  	_ = 	snop  }
0x90: {  	s2 =	sld [smem:$0x3FD0];
	_ =	sdelay $0x2  }
0x91: {  	s15 =	simm.s32 $0xA;
	s4 =	simm.s32 $0x10  }
0x92: {  	[smem:s4], [sflag:s15] =	dma.local [hbm:s2], $0x1  }
0x93: {  	_ =	swait.eq [sflag:s15], $0x1  }
0x94: {  	[sflag:s15] =	ssyncset.done $0x0  }
0x95: {  	[sflag:s15] =	ssyncadd.s32 $0xFFFFFFFF  }
0x96: {  	s16 =	sld [smem:$0x13];
	(tm) =	ssettm $0x1  }
0x97: {  	s17 =	sld [smem:$0x3FFB];
	_ =	sdelay $0x3  }
0x98: {  	_ =	strace s17  }
0x99: {  	s3 =	sld [smem:$0x3FFC];
	_ =	sdelay $0x3  }
0x9a: {  	_ =	strace s3  }
0x9b: {  	s3 =	sld [smem:$0x3FFD];
	_ =	sdelay $0x3  }
0x9c: {  	_ =	strace s3  }
0x9d: {  	_ =	strace $0x8FFFFFFF  }
0x9e: {  	s18 =	sld [smem:$0x3FDB];
	_ =	sdelay $0x1  }
0x9f: {  	s19 =	simm.s32 $_scs_section_size  }
0xa0: {  	s5 =	simm.s32 $_size__tile_overlayer_lowered;
	s6 =	simm.s32 $_tile_overlayer_lowered  }
0xa1: {  	s22 =	simm.s32 $0x1BFF;
	s21 =	sshll.u32 s6, $0x1;
	s3 =	sadd.s32 s19, s18  }
0xa2: {  	s7 =	simm.s32 $0x0;
	s20 =	sshll.u32 s5, $0x1;
	s5 =	sadd.s32 s21, s3  }
0xa3: {  	[timem:s7], [sflag:s22] =	dma.local [hbm:s5], s20  }
0xa4: {  	_ =	swait.ge [sflag:s22], s20  }
0xa5: {  	s4 =	ssub.s32 $0x0, s20;
	[sflag:s22] =	ssyncset.done $0x0  }
0xa6: {  	[sflag:s22] =	ssyncadd.s32 s4;
	_ =	sdelay $0x1  }
0xa7: {  	s23 =	simm.s32 $0x1B8B  }
0xa8: {  	_ =	swait.ge [sflag:s23], $0x1  }
0xa9: {  	[sflag:s23] =	ssyncset.done $0x0  }
0xaa: {  	s25 =	simm.s32 $0x1B8E;
	s24 =	sld [smem:$0x3FFE];
	[sflag:s23] =	ssyncadd.s32 $0xFFFFFFFF  }
0xab: {  	s26 =	simm.s32 $execute0_lowered;
	[smem:$0x3FD2] =	sst s25  }
0xac: {  	s5 =	sshll.u32 s26, $0x1;
	_ =	strace $0x80000046;
	[dreg:$0x1] =	wrdreg $0xFFFFFFFF  }
0xad: {  	s28 =	simm.s32 $_size_execute0_lowered;
	s3 =	sadd.s32 s3, s5;
	[dreg:$0x0] =	wrdreg $0x0  }
0xae: {  	s5 =	sshll.u32 s28, $0x1;
	[dreg:$0x2] =	wrdreg s3  }
0xaf: {  	[dreg:$0x3] =	wrdreg s5  }
0xb0: {  	[dreg:$0x4] =	wrdreg $0xC0  }
0xb1: {  	_ =	task [dreg:s7], $0x5FFFF  }
0xb2: {  	[dreg:$0x1] =	wrdreg $0xFFFFFFFF  }
0xb3: {  	[dreg:$0x0] =	wrdreg $0x60  }
0xb4: {  	[dreg:$0x2] =	wrdreg s16  }
0xb5: {  	[dreg:$0x3] =	wrdreg s24  }
0xb6: {  	[dreg:$0x4] =	wrdreg $0x9  }
0xb7: {  	_ =	task.clear_ibuf [dreg:s7], $0x5FFFF;
	_ =	strace $0x90000046  }
0xb8: {  	s29 =	simm.s32 $0x9;
	_ =	strace $0x80000048  }
0xb9: {  	_ =	swait.ge [sflag:s29], $0x1  }
0xba: {  	[sflag:s29] =	ssyncadd.s32 $0xFFFFFFFF  }
0xbb: {  	_ =	strace $0x90000048  }
0xbc: {  	_ =	sfence  }
0xbd: {  	s30 =	sld [smem:$0x0];
	_ =	sdelay $0x2  }
0xbe: {  	s31 =	sshll.u32 s1, $0xD;
	s1 =	sshrl.u32 s1, $0x2  }
0xbf: {  	s3 =	sand.u32 $0x4000, s31;
	s1 =	sadd.s32 s1, s30  }
0xc0: {  	s0 =	sor.u32 s3, s0;
	s1 =	sshll.u32 s1, $0x11  }
0xc1: {  	s0 =	sor.u32 s1, s0  }
0xc2: {  	s0 =	sadd.s32 $0x8F2B, s0  }
0xc3: {  	[sflag:s0] =	ssyncadd.remote.s32 $0x1  }
0xc4: {  	_ =	sfence.sel $0xFFFF  }
0xc5: {  	[dreg:$0x0] =	wrdreg $0xFFFFFFFF;
	(pc) =	sbr.abs _section_cstart, $3  }
0xc6: {  	[dreg:$0x1] =	wrdreg $0xFFFFFFFF  }
0xc7: {  	_ =	task.clear_ibuf [dreg:s7], $0x2FFFF;
	_ =	strace $0x9FFFFFFF  }
0xc8: {  	(tm) =	ssettm $0x7FFFFFFF  }
0xc9: {  	_ =	shalt  }
tec
execute0_lowered:
.L_overlay_start_1:
0x0: {  	(tag) =	ssettag $0x1  }
0x1: {  	s3 =	rddreg [dreg:$0x0]  }
0x2: {  	s1 =	srdreg.scid;
	s0 =	stileid.u32  }
0x3: {  	s10 =	rddreg [dreg:$0x1];
	s15 =	sand.u32 $0x1, s1;
	s4 =	sshll.u32 s0, $0x1  }
0x4: {  	s2 =	simm.s32 $0x0;
	s1 =	rddreg [dreg:$0x2];
	s8 =	sor.u32 s15, s4  }
0x5: {  	[smem:$0x7FF] =	sst s2;
	s4 =	sshll.u32 s8, $0x7  }
0x6: {  	_ =	strace $0x80000047;
	s3 =	sadd.s32 s3, s4;
	s4 =	simm.s32 $0x2  }
0x7: {  	[tilespmem:s2], [sflag:$0x2] =	stream.linear.gather [hbm4b:s3+s2], $0x280, $0x38;
	[tilespmem:$0x4400] =	vst v63  }
0x8: {  	s5 =	smul.u32 $0x2800, s8;
	_ =	swait.ge [sflag:s4], $0x280  }
0x9: {  	[sflag:s4] =	ssyncset.done $0x0  }
0xa: {  	s6 =	simm.s32 $0x400;
	s5 =	sadd.s32 s10, s5;
	[sflag:s4] =	ssyncadd.s32 $0xFFFFFD80  }
0xb: {  	[tilespmem:s6], [sflag:$0x2] =	stream.linear.gather [hbm4b:s5+s2], $0x4000, $0x38;
	[tilespmem:$0x4400] =	vst v63  }
0xc: {  	_ =	swait.ge [sflag:s4], $0x4000  }
0xd: {  	s9 =	simm.s32 $0x80;
	s7 =	sadd.s32 $0x50000, s10;
	[sflag:s4] =	ssyncset.done $0x0  }
0xe: {  	s11 =	smul.u32 $0x14000, s8;
	s8 =	simm.s32 $0x1;
	[sflag:s4] =	ssyncadd.s32 $0xFFFFC000  }
0xf: {  	[hbm4b:s7+s9] =	stream.indirect.scatter [tilespmem:s6], [sflag:$0x1], $0x80, s2, s9, $0xb8;
	[tilespmem:$0x4400] =	vst v63  }
0x10: {  	s11 =	sshrl.u32 s11, $0x3;
	_ =	swait.ge [sflag:s8], $0x4000  }
0x11: {  	s16 =	sadd.s32 s10, s11;
	[sflag:s8] =	ssyncset.done $0x0  }
0x12: {  	s10 =	sadd.s32 $0x800, s16;
	[sflag:s8] =	ssyncadd.s32 $0xFFFFC000  }
0x13: {  	[tilespmem:s6], [sflag:$0x2] =	stream.linear.gather [hbm4b:s10+s2], $0x4000, $0x38;
	[tilespmem:$0x4400] =	vst v63  }
0x14: {  	_ =	swait.ge [sflag:s4], $0x4000  }
0x15: {  	[sflag:s4] =	ssyncset.done $0x0  }
0x16: {  	[sflag:s4] =	ssyncadd.s32 $0xFFFFC000  }
0x17: {  	[hbm4b:s7+s9] =	stream.indirect.scatter [tilespmem:s6], [sflag:$0x1], $0x80, s9, s9, $0xb8;
	[tilespmem:$0x4400] =	vst v63  }
0x18: {  	_ =	swait.ge [sflag:s8], $0x4000  }
0x19: {  	[sflag:s8] =	ssyncset.done $0x0  }
0x1a: {  	s11 =	sadd.s32 $0x1000, s16;
	[sflag:s8] =	ssyncadd.s32 $0xFFFFC000  }
0x1b: {  	[tilespmem:s6], [sflag:$0x2] =	stream.linear.gather [hbm4b:s11+s2], $0x4000, $0x38;
	[tilespmem:$0x4400] =	vst v63  }
0x1c: {  	_ =	swait.ge [sflag:s4], $0x4000  }
0x1d: {  	[sflag:s4] =	ssyncset.done $0x0  }
0x1e: {  	s12 =	simm.s32 $0x100;
	[sflag:s4] =	ssyncadd.s32 $0xFFFFC000  }
0x1f: {  	[hbm4b:s7+s9] =	stream.indirect.scatter [tilespmem:s6], [sflag:$0x1], $0x80, s12, s9, $0xb8;
	[tilespmem:$0x4400] =	vst v63  }
0x20: {  	_ =	swait.ge [sflag:s8], $0x4000  }
0x21: {  	[sflag:s8] =	ssyncset.done $0x0  }
0x22: {  	s13 =	sadd.s32 $0x1800, s16;
	[sflag:s8] =	ssyncadd.s32 $0xFFFFC000  }
0x23: {  	[tilespmem:s6], [sflag:$0x2] =	stream.linear.gather [hbm4b:s13+s2], $0x4000, $0x38;
	[tilespmem:$0x4400] =	vst v63  }
0x24: {  	_ =	swait.ge [sflag:s4], $0x4000  }
0x25: {  	[sflag:s4] =	ssyncset.done $0x0  }
0x26: {  	s14 =	simm.s32 $0x180;
	s17 =	ssub.s32 $0x2, s15;
	[sflag:s4] =	ssyncadd.s32 $0xFFFFC000  }
0x27: {  	[hbm4b:s7+s9] =	stream.indirect.scatter [tilespmem:s6], [sflag:$0x1], $0x80, s14, s9, $0xb8;
	[tilespmem:$0x4400] =	vst v63  }
0x28: {  	s31 =	sshrl.u32 s17, $0x1;
	_ =	swait.ge [sflag:s8], $0x4000  }
0x29: {  	s15 =	sadd.s32 $0x2000, s16;
	s16 =	ssub.s32 s17, s31;
	[sflag:s8] =	ssyncset.done $0x0  }
0x2a: {  	s17 =	smax.u32 s16, $0x1;
	[sflag:s8] =	ssyncadd.s32 $0xFFFFC000  }
0x2b: {  	[tilespmem:s6], [sflag:$0x2] =	stream.linear.gather [hbm4b:s15+s2], $0x4000, $0x38;
	[tilespmem:$0x4400] =	vst v63  }
0x2c: {  	p0 =	sne.s32 s17, $0x1;
	_ =	swait.ge [sflag:s4], $0x4000  }
.Ltmp0:
0x2d: {  	[sflag:s4] =	ssyncset.done $0x0;
	(pc) =	sbr.rel @!p0 .LBB2_2-.Ltmp0, $4  }
0x2e: {  	s16 =	simm.s32 $0x200;
	[sflag:s4] =	ssyncadd.s32 $0xFFFFC000  }
0x2f: {  	[hbm4b:s7+s9] =	stream.indirect.scatter [tilespmem:s6], [sflag:$0x1], $0x80, s16, s9, $0xb8;
	[tilespmem:$0x4400] =	vst v63  }
0x30: {  	_ =	swait.ge [sflag:s8], $0x4000  }
0x31: {  	s17 =	sadd.s32 $0xFFFFFFFF, s17;
	[sflag:s8] =	ssyncset.done $0x0  }
.LBB2_1:
0x32: {  	p0 =	sne.s32 s17, $0x1;
	s17 =	sadd.s32 $0xFFFFFFFF, s17;
	[sflag:s8] =	ssyncadd.s32 $0xFFFFC000  }
0x33: {  	[tilespmem:s2], [sflag:$0x2] =	stream.linear.gather [hbm4b:s3+s2], $0x280, $0x38;
	[tilespmem:$0x4400] =	vst v63  }
0x34: {  	_ =	swait.ge [sflag:s4], $0x280  }
0x35: {  	[sflag:s4] =	ssyncset.done $0x0  }
0x36: {  	[sflag:s4] =	ssyncadd.s32 $0xFFFFFD80  }
0x37: {  	[tilespmem:s6], [sflag:$0x2] =	stream.linear.gather [hbm4b:s5+s2], $0x4000, $0x38;
	[tilespmem:$0x4400] =	vst v63  }
0x38: {  	_ =	swait.ge [sflag:s4], $0x4000  }
0x39: {  	[sflag:s4] =	ssyncset.done $0x0  }
0x3a: {  	[sflag:s4] =	ssyncadd.s32 $0xFFFFC000  }
0x3b: {  	[hbm4b:s7+s9] =	stream.indirect.scatter [tilespmem:s6], [sflag:$0x1], $0x80, s2, s9, $0xb8;
	[tilespmem:$0x4400] =	vst v63  }
0x3c: {  	_ =	swait.ge [sflag:s8], $0x4000  }
0x3d: {  	[sflag:s8] =	ssyncset.done $0x0  }
0x3e: {  	[sflag:s8] =	ssyncadd.s32 $0xFFFFC000  }
0x3f: {  	[tilespmem:s6], [sflag:$0x2] =	stream.linear.gather [hbm4b:s10+s2], $0x4000, $0x38;
	[tilespmem:$0x4400] =	vst v63  }
0x40: {  	_ =	swait.ge [sflag:s4], $0x4000  }
0x41: {  	[sflag:s4] =	ssyncset.done $0x0  }
0x42: {  	[sflag:s4] =	ssyncadd.s32 $0xFFFFC000  }
0x43: {  	[hbm4b:s7+s9] =	stream.indirect.scatter [tilespmem:s6], [sflag:$0x1], $0x80, s9, s9, $0xb8;
	[tilespmem:$0x4400] =	vst v63  }
0x44: {  	_ =	swait.ge [sflag:s8], $0x4000  }
0x45: {  	[sflag:s8] =	ssyncset.done $0x0  }
0x46: {  	[sflag:s8] =	ssyncadd.s32 $0xFFFFC000  }
0x47: {  	[tilespmem:s6], [sflag:$0x2] =	stream.linear.gather [hbm4b:s11+s2], $0x4000, $0x38;
	[tilespmem:$0x4400] =	vst v63  }
0x48: {  	_ =	swait.ge [sflag:s4], $0x4000  }
0x49: {  	[sflag:s4] =	ssyncset.done $0x0  }
0x4a: {  	[sflag:s4] =	ssyncadd.s32 $0xFFFFC000  }
0x4b: {  	[hbm4b:s7+s9] =	stream.indirect.scatter [tilespmem:s6], [sflag:$0x1], $0x80, s12, s9, $0xb8;
	[tilespmem:$0x4400] =	vst v63  }
0x4c: {  	_ =	swait.ge [sflag:s8], $0x4000  }
0x4d: {  	[sflag:s8] =	ssyncset.done $0x0  }
0x4e: {  	[sflag:s8] =	ssyncadd.s32 $0xFFFFC000  }
0x4f: {  	[tilespmem:s6], [sflag:$0x2] =	stream.linear.gather [hbm4b:s13+s2], $0x4000, $0x38;
	[tilespmem:$0x4400] =	vst v63  }
0x50: {  	_ =	swait.ge [sflag:s4], $0x4000  }
0x51: {  	[sflag:s4] =	ssyncset.done $0x0  }
0x52: {  	[sflag:s4] =	ssyncadd.s32 $0xFFFFC000  }
0x53: {  	[hbm4b:s7+s9] =	stream.indirect.scatter [tilespmem:s6], [sflag:$0x1], $0x80, s14, s9, $0xb8;
	[tilespmem:$0x4400] =	vst v63  }
0x54: {  	_ =	swait.ge [sflag:s8], $0x4000  }
0x55: {  	[sflag:s8] =	ssyncset.done $0x0  }
0x56: {  	[sflag:s8] =	ssyncadd.s32 $0xFFFFC000  }
0x57: {  	[tilespmem:s6], [sflag:$0x2] =	stream.linear.gather [hbm4b:s15+s2], $0x4000, $0x38;
	[tilespmem:$0x4400] =	vst v63  }
0x58: {  	_ =	swait.ge [sflag:s4], $0x4000  }
.Ltmp1:
0x59: {  	[sflag:s4] =	ssyncset.done $0x0;
	(pc) =	sbr.rel @p0 .LBB2_1-.Ltmp1, $4  }
0x5a: {  	[sflag:s4] =	ssyncadd.s32 $0xFFFFC000  }
0x5b: {  	[hbm4b:s7+s9] =	stream.indirect.scatter [tilespmem:s6], [sflag:$0x1], $0x80, s16, s9, $0xb8;
	[tilespmem:$0x4400] =	vst v63  }
0x5c: {  	_ =	swait.ge [sflag:s8], $0x4000  }
0x5d: {  	[sflag:s8] =	ssyncset.done $0x0  }
.LBB2_2:
0x5e: {  	[sflag:s8] =	ssyncadd.s32 $0xFFFFC000  }
0x5f: {  	_ =	sfence.sel $0x180000  }
0x60: {  	[bflag:$0x0] =	sbarrier.arrive $0xFFFF  }
0x61: {  	p0 =	sne.s32 s0, $0x0;
	_ =	strace $0x90000047  }
0x62: {  	s0 =	sadd.s32 @!p0 $0x100000, s1;
	[bflag:$0x2] =	sbarrier.arrive $0xFFFF  }
0x63: {  	[sflag:s0] =	ssyncadd.tile.s32 @!p0 $0x1;
	_ =	shalt  }
.Lfunc_end2:
_tile_overlayer_lowered:
.L_overlay_start_2:
0x64: {  	(tag) =	ssettag $0x2  }
0x65: {  	s0 =	rddreg [dreg:$0x0];
	s2 =	stileid.u32  }
0x66: {  	s1 =	rddreg [dreg:$0x1];
	p0 =	sne.s32 s2, $0x0  }
0x67: {  	s3 =	rddreg [dreg:$0x2];
	[bflag:$0x3] =	sbarrier.arrive $0xFFFF;
	s2 =	simm.s32 @!p0 $0x1C02  }
0x68: {  	[timem:s3], [sflag:s2] =	dma.local @!p0 [hbm:s0], s1  }
0x69: {  	s0 =	simm.s32 @!p0 $0x2  }
0x6a: {  	_ =	swait.ge @!p0 [sflag:s0], s1  }
0x6b: {  	s1 =	ssub.s32 @!p0 $0x0, s1;
	[sflag:s0] =	ssyncset.done @!p0 $0x0  }
0x6c: {  	[sflag:s0] =	ssyncadd.s32 @!p0 s1  }
0x6d: {  	[bflag:$0x3] =	sbarrier.arrive $0xFFFF  }
0x6e: {  	_ =	shalt  }

</sc_bundles>
